<compile_context>
chip_gen: v7x
topology: tpu7x:2x2x1
jax: 0.10.2.dev20260603
libtpu: 0.0.44.dev20260713+nightly
codegen_flags: <defaults>
</compile_context>

<pallas_src>
import functools

import jax
import jax.numpy as jnp
from jax import lax
from jax.experimental import pallas as pl
from jax.experimental.pallas import tpu as pltpu
from jax.experimental.pallas import tpu_sc as plsc

_NC = 2
_NS = 16
_NW = _NC * _NS
_BG = 4
_SG = 8
_IDX_CHUNK = 512
_PBLK = 8192
_VBLK = 512
_VQ = _VBLK // 4
_VQ_LOG2 = _VQ.bit_length() - 1


def _tc_pack_table(table_t):
    D, V = table_t.shape
    g = 128 // D
    v_blk = _PBLK
    rows_blk = v_blk // g
    grid = (pl.cdiv(V, v_blk),)
    n_rows = grid[0] * rows_blk

    def pack_kernel(in_ref, out_ref):
        a = in_ref[...]
        for w in range(v_blk // (4 * 128)):
            sub = a[:, w * 512:(w + 1) * 512]
            c = jnp.concatenate(
                [sub[:, m * 128:(m + 1) * 128] for m in range(4)], axis=0
            )
            out_ref[w * 128:(w + 1) * 128, :] = c.T

    return pl.pallas_call(
        pack_kernel,
        grid=grid,
        in_specs=[pl.BlockSpec((D, v_blk), lambda i: (0, i))],
        out_specs=pl.BlockSpec((rows_blk, 128), lambda i: (i, 0)),
        out_shape=jax.ShapeDtypeStruct((n_rows, 128), table_t.dtype),
    )(table_t)


def _sc_gather(features, table_lin):
    S, B = features.shape
    V, D = table_lin.shape
    s_per = S // _SG
    b_per = B // _BG
    n_ch = b_per // _IDX_CHUNK
    n_i = D // 8
    n_j = b_per // 128
    TP = 129

    mesh = plsc.VectorSubcoreMesh(core_axis_name="c", subcore_axis_name="s")

    @functools.partial(
        pl.kernel,
        out_type=jax.ShapeDtypeStruct((S, n_i, (B // 128) * 8, 128), jnp.float32),
        mesh=mesh,
        scratch_types=[
            pltpu.VMEM((2, b_per), jnp.int32),
            pltpu.VMEM((2, b_per, D), jnp.float32),
            pltpu.VMEM((n_i, n_j * 8, TP), jnp.float32),
            pltpu.SemaphoreType.DMA,
            pltpu.SemaphoreType.DMA((2,)),
            pltpu.SemaphoreType.DMA,
        ],
        compiler_params=pltpu.CompilerParams(
            use_tc_tiling_on_sc=False, needs_layout_passes=False
        ),
    )
    def gather_kernel(feat_hbm, table_hbm, out_hbm, idx_v, rows_v, tile_v,
                      isem, gsem, wsem):
        wid = lax.axis_index("c") * _NS + lax.axis_index("s")
        bg = wid // _SG
        sg = wid % _SG
        s0 = sg * s_per
        b0 = bg * b_per
        iota16 = lax.broadcasted_iota(jnp.int32, (16,), 0)
        I_LO = iota16 >> 3
        I_HI = I_LO + 2
        QV = iota16 & 7

        def idx_desc(s_l):
            return pltpu.make_async_copy(
                feat_hbm.at[s0 + s_l, pl.ds(b0, b_per)],
                idx_v.at[lax.rem(s_l, 2)],
                isem,
            )

        def remap(s_l):
            slot = lax.rem(s_l, 2)

            def body(i, carry):
                v = idx_v[slot, pl.ds(i * 16, 16)]
                k = (v & -_VBLK) | ((v & (_VQ - 1)) << 2) | ((v >> _VQ_LOG2) & 3)
                idx_v[slot, pl.ds(i * 16, 16)] = k
                return carry

            lax.fori_loop(0, b_per // 16, body, None)

        def gather_descs(s_l):
            slot = lax.rem(s_l, 2)
            return [
                pltpu.make_async_copy(
                    table_hbm.at[idx_v.at[slot, pl.ds(j * _IDX_CHUNK, _IDX_CHUNK)]],
                    rows_v.at[slot, pl.ds(j * _IDX_CHUNK, _IDX_CHUNK)],
                    gsem.at[slot],
                )
                for j in range(n_ch)
            ]

        def write_descs(s_l):
            return [
                pltpu.make_async_copy(
                    tile_v.at[i, :, pl.ds(0, 128)],
                    out_hbm.at[s0 + s_l, i, pl.ds(n_j * 8 * bg, n_j * 8)],
                    wsem,
                )
                for i in range(n_i)
            ]

        idx_desc(0).start()
        idx_desc(0).wait()
        remap(0)
        idx_desc(1).start()
        for d in gather_descs(0):
            d.start()

        def step(s_l, carry):
            rbuf = lax.rem(s_l, 2)

            @pl.when(s_l < s_per - 1)
            def _():
                idx_desc(s_l + 1).wait()
                remap(s_l + 1)
                for d in gather_descs(s_l + 1):
                    d.start()

            for d in gather_descs(s_l):
                d.wait()

            @pl.when(s_l < s_per - 2)
            def _():
                idx_desc(s_l + 2).start()

            @pl.when(s_l >= 1)
            def _():
                for d in write_descs(s_l - 1):
                    d.wait()

            def tr(t, carry2):
                for bi in range(8):
                    b = t * 8 + bi
                    jl = b >> 7
                    c = b & 127
                    cvec = jnp.broadcast_to(c, (16,))
                    midv = jnp.broadcast_to(jl * 8, (16,)) + QV
                    va = rows_v[rbuf, b, pl.ds(0, 16)]
                    vb = rows_v[rbuf, b, pl.ds(16, 16)]
                    plsc.store_scatter(tile_v, [I_LO, midv, cvec], va)
                    plsc.store_scatter(tile_v, [I_HI, midv, cvec], vb)
                return carry2

            lax.fori_loop(0, b_per // 8, tr, None)

            for d in write_descs(s_l):
                d.start()
            return carry

        lax.fori_loop(0, s_per, step, None)
        for d in write_descs(s_per - 1):
            d.wait()

    return gather_kernel(features, table_lin)


def _tc_tile_init(init_state, batch):
    L, _, H = init_state.shape
    blk = 512
    grid = (batch // blk,)

    def tile_kernel(init_ref, out_ref):
        out_ref[...] = jnp.broadcast_to(init_ref[...], out_ref.shape)

    return pl.pallas_call(
        tile_kernel,
        grid=grid,
        in_specs=[pl.BlockSpec((L, 1, H), lambda i: (0, 0, 0))],
        out_specs=pl.BlockSpec((L, blk, H), lambda i: (0, i, 0)),
        out_shape=jax.ShapeDtypeStruct((L, batch, H), init_state.dtype),
    )(init_state)


def kernel(features, lengths, table, init_state):
    del lengths
    V, D = table.shape
    t_pack = _tc_pack_table(jnp.transpose(table))
    table_lin = jnp.reshape(t_pack, (t_pack.shape[0] * (128 // D), D))
    B = features.shape[1]
    S = features.shape[0]
    out4 = _sc_gather(features, table_lin)
    emb5 = jnp.reshape(out4, (S, D // 8, B // 128, 8, 128))
    emb = jnp.transpose(emb5, (2, 4, 0, 1, 3)).reshape(B, S, D)
    init = _tc_tile_init(init_state, features.shape[1])
    return (emb, init)

# --- scband reference (transcript-rebuilt; emitter-appended) ---
"""Pipeline reference for scband-pass-through-encoder-55482387530314 (READ-ONLY COPY).

The authoritative reference and input builder live on the scoring server;
editing this copy changes nothing except your own understanding.
"""

import jax, jax.numpy as jnp
import numpy as np

SEQ_LEN = 200
BATCH = 4096
VOCAB = 1000000
EMBED_DIM = 32
NUM_LAYERS = 2
HIDDEN = 512


def setup_inputs(seed: int = 0) -> dict:
    key = jax.random.key(seed)
    k1, k2, k3, k4 = jax.random.split(key, 4)
    features = jax.random.randint(k1, (SEQ_LEN, BATCH), 0, VOCAB, dtype=jnp.int32)
    lengths = jax.random.randint(k2, (BATCH,), 1, SEQ_LEN + 1, dtype=jnp.int32)
    table = jax.random.normal(k3, (VOCAB, EMBED_DIM), dtype=jnp.float32)
    init_state = jax.random.normal(k4, (NUM_LAYERS, 1, HIDDEN), dtype=jnp.float32)
    return {"features": features, "lengths": lengths, "table": table, "init_state": init_state}


def reference(features, lengths, table, init_state):
    # emb = embedding_context(features) -> [seq_len, batch, embed_dim]
    emb = jnp.take(table, features, axis=0)
    # .permute(1, 0, 2) -> [batch, seq_len, embed_dim]
    emb = jnp.transpose(emb, (1, 0, 2))
    batch_size = emb.shape[0]
    # init_state.repeat(1, batch_size, 1) -> [num_layers, batch, hidden]
    init = jnp.tile(init_state, (1, batch_size, 1))
    # F.dropout with p=0.0 / eval mode is identity
    return (emb, init)

if __name__ == "__main__":
    import jax
    _d = setup_inputs()
    print(jax.jit(kernel)(*tuple(_d.values())))

</pallas_src>

<mosaic_0001>
#map = affine_map<(d0, d1) -> (0, 0)>
#map1 = affine_map<(d0, d1) -> (0, 0, 0, 0)>
module attributes {stable_mosaic.version = 14 : i64} {
  func.func @gather_kernel(%arg0: i32, %arg1: i32, %arg2: memref<200x4096xi32, #tpu.memory_space<hbm>>, %arg3: memref<1007616x32xf32, #tpu.memory_space<hbm>>, %arg4: memref<200x4x256x128xf32, #tpu.memory_space<hbm>>, %arg5: memref<2x1024xi32, #tpu.memory_space<vmem>>, %arg6: memref<2x1024x32xf32, #tpu.memory_space<vmem>>, %arg7: memref<4x64x129xf32, #tpu.memory_space<vmem>>, %arg8: memref<!tpu.dma_semaphore, #tpu.memory_space<semaphore_mem>>, %arg9: memref<2x!tpu.dma_semaphore, #tpu.memory_space<semaphore_mem>>, %arg10: memref<!tpu.dma_semaphore, #tpu.memory_space<semaphore_mem>>) attributes {dimension_semantics = [#tpu.dimension_semantics<core_parallel>, #tpu.dimension_semantics<subcore_parallel>], iteration_bounds = array<i64: 2, 16>, scalar_prefetch = 0 : i64, scratch_operands = 6 : i64, tpu.core_type = #tpu.core_type<sc_vector_subcore>, window_params = [{transform_indices = #map}, {transform_indices = #map}, {transform_indices = #map1}]} {
    %mul3A = arith.constant 16 : i32
    %mul3A_0 = arith.muli %arg0, %mul3A : i32
    %add3A = arith.addi %mul3A_0, %arg1 : i32
    %jit3A = arith.constant 8 : i32
    %div3A = arith.divsi %add3A, %jit3A : i32
    %sign3A = arith.constant 0 : i32
    %sign3A_1 = arith.cmpi sgt, %add3A, %sign3A : i32
    %sign3A_2 = arith.extui %sign3A_1 : i1 to i32
    %sign3A_3 = arith.constant 0 : i32
    %sign3A_4 = arith.cmpi slt, %add3A, %sign3A_3 : i32
    %sign3A_5 = arith.extui %sign3A_4 : i1 to i32
    %sign3A_6 = arith.subi %sign3A_2, %sign3A_5 : i32
    %sign3A_7 = arith.constant 0 : i32
    %sign3A_8 = arith.cmpi sgt, %jit3A, %sign3A_7 : i32
    %sign3A_9 = arith.extui %sign3A_8 : i1 to i32
    %sign3A_10 = arith.constant 0 : i32
    %sign3A_11 = arith.cmpi slt, %jit3A, %sign3A_10 : i32
    %sign3A_12 = arith.extui %sign3A_11 : i1 to i32
    %sign3A_13 = arith.subi %sign3A_9, %sign3A_12 : i32
    %ne3A = arith.cmpi ne, %sign3A_6, %sign3A_13 : i32
    %rem3A = arith.remsi %add3A, %jit3A : i32
    %ne3A_14 = arith.constant 0 : i32
    %ne3A_15 = arith.cmpi ne, %rem3A, %ne3A_14 : i32
    %and3A = arith.andi %ne3A, %ne3A_15 : i1
    %sub3A = arith.constant 1 : i32
    %sub3A_16 = arith.subi %div3A, %sub3A : i32
    %select_n3A = arith.select %and3A, %sub3A_16, %div3A : i32
    %jit3A_17 = arith.constant 8 : i32
    %eq3A = arith.constant 0 : i32
    %eq3A_18 = arith.cmpi eq, %jit3A_17, %eq3A : i32
    %jit3A_19 = arith.constant 1 : i32
    %select_n3A_20 = arith.select %eq3A_18, %jit3A_19, %jit3A_17 : i32
    %rem3A_21 = arith.remsi %add3A, %select_n3A_20 : i32
    %ne3A_22 = arith.constant 0 : i32
    %ne3A_23 = arith.cmpi ne, %rem3A_21, %ne3A_22 : i32
    %lt3A = arith.constant 0 : i32
    %lt3A_24 = arith.cmpi slt, %rem3A_21, %lt3A : i32
    %lt3A_25 = arith.constant 0 : i32
    %lt3A_26 = arith.cmpi slt, %select_n3A_20, %lt3A_25 : i32
    %ne3A_27 = arith.xori %lt3A_24, %lt3A_26 : i1
    %and3A_28 = arith.andi %ne3A_27, %ne3A_23 : i1
    %add3A_29 = arith.addi %rem3A_21, %select_n3A_20 : i32
    %select_n3A_30 = arith.select %and3A_28, %add3A_29, %rem3A_21 : i32
    %mul3A_31 = arith.constant 25 : i32
    %mul3A_32 = arith.muli %select_n3A_30, %mul3A_31 : i32
    %mul3A_33 = arith.constant 1024 : i32
    %mul3A_34 = arith.muli %select_n3A, %mul3A_33 : i32
    %iota3A = tpu.iota {dimensions = array<i32: 0>} : vector<16xi32>
    %shift_right_arithmetic3A = arith.constant 3 : i32
    %shift_right_arithmetic3A_35 = vector.broadcast %shift_right_arithmetic3A : i32 to vector<16xi32>
    %shift_right_arithmetic3A_36 = arith.shrsi %iota3A, %shift_right_arithmetic3A_35 : vector<16xi32>
    %add3A_37 = arith.constant 2 : i32
    %add3A_38 = vector.broadcast %add3A_37 : i32 to vector<16xi32>
    %add3A_39 = arith.addi %shift_right_arithmetic3A_36, %add3A_38 : vector<16xi32>
    %and3A_40 = arith.constant 7 : i32
    %and3A_41 = vector.broadcast %and3A_40 : i32 to vector<16xi32>
    %and3A_42 = arith.andi %iota3A, %and3A_41 : vector<16xi32>
    %add3A_43 = arith.constant 0 : i32
    %add3A_44 = arith.addi %mul3A_32, %add3A_43 : i32
    %rem3A_45 = arith.constant 0 : i32
    %rem3A_46 = arith.constant 2 : i32
    %rem3A_47 = arith.remsi %rem3A_45, %rem3A_46 : i32
    %dma_start3A = arith.constant 0 : i32
    %dma_start3A_48 = tpu.memref_slice %arg5[%rem3A_47, %dma_start3A] : memref<2x1024xi32, #tpu.memory_space<vmem>> -> memref<1x1024xi32, #tpu.memory_space<vmem>>
    %dma_start3A_49 = tpu.memref_squeeze %dma_start3A_48 : memref<1x1024xi32, #tpu.memory_space<vmem>> -> memref<1024xi32, #tpu.memory_space<vmem>>
    %dma_start3A_50 = tpu.memref_slice %arg2[%add3A_44, %mul3A_34] : memref<200x4096xi32, #tpu.memory_space<hbm>> -> memref<1x1024xi32, #tpu.memory_space<hbm>>
    %dma_start3A_51 = tpu.memref_squeeze %dma_start3A_50 : memref<1x1024xi32, #tpu.memory_space<hbm>> -> memref<1024xi32, #tpu.memory_space<hbm>>
    %dma_start3A_52 = arith.constant 0 : i32
    %dma_start3A_53 = tpu.memref_slice %arg5[%rem3A_47, %dma_start3A_52] : memref<2x1024xi32, #tpu.memory_space<vmem>> -> memref<1x1024xi32, #tpu.memory_space<vmem>>
    %dma_start3A_54 = tpu.memref_squeeze %dma_start3A_53 : memref<1x1024xi32, #tpu.memory_space<vmem>> -> memref<1024xi32, #tpu.memory_space<vmem>>
    %dma_start3A_55 = tpu.memref_slice %arg2[%add3A_44, %mul3A_34] : memref<200x4096xi32, #tpu.memory_space<hbm>> -> memref<1x1024xi32, #tpu.memory_space<hbm>>
    %dma_start3A_56 = tpu.memref_squeeze %dma_start3A_55 : memref<1x1024xi32, #tpu.memory_space<hbm>> -> memref<1024xi32, #tpu.memory_space<hbm>>
    tpu.enqueue_dma source(%dma_start3A_56 : memref<1024xi32, #tpu.memory_space<hbm>>) target(%dma_start3A_54 : memref<1024xi32, #tpu.memory_space<vmem>>) target_semaphore(%arg8 : memref<!tpu.dma_semaphore, #tpu.memory_space<semaphore_mem>>)
    %add3A_57 = arith.constant 0 : i32
    %add3A_58 = arith.addi %mul3A_32, %add3A_57 : i32
    %rem3A_59 = arith.constant 0 : i32
    %rem3A_60 = arith.constant 2 : i32
    %rem3A_61 = arith.remsi %rem3A_59, %rem3A_60 : i32
    %dma_wait3A = arith.constant 0 : i32
    %dma_wait3A_62 = tpu.memref_slice %arg5[%rem3A_61, %dma_wait3A] : memref<2x1024xi32, #tpu.memory_space<vmem>> -> memref<1x1024xi32, #tpu.memory_space<vmem>>
    %dma_wait3A_63 = tpu.memref_squeeze %dma_wait3A_62 : memref<1x1024xi32, #tpu.memory_space<vmem>> -> memref<1024xi32, #tpu.memory_space<vmem>>
    %dma_wait3A_64 = tpu.memref_slice %arg2[%add3A_58, %mul3A_34] : memref<200x4096xi32, #tpu.memory_space<hbm>> -> memref<1x1024xi32, #tpu.memory_space<hbm>>
    %dma_wait3A_65 = tpu.memref_squeeze %dma_wait3A_64 : memref<1x1024xi32, #tpu.memory_space<hbm>> -> memref<1024xi32, #tpu.memory_space<hbm>>
    %dma_wait3A_66 = arith.constant 0 : i32
    %dma_wait3A_67 = tpu.memref_slice %arg5[%rem3A_61, %dma_wait3A_66] : memref<2x1024xi32, #tpu.memory_space<vmem>> -> memref<1x1024xi32, #tpu.memory_space<vmem>>
    %dma_wait3A_68 = tpu.memref_squeeze %dma_wait3A_67 : memref<1x1024xi32, #tpu.memory_space<vmem>> -> memref<1024xi32, #tpu.memory_space<vmem>>
    %dma_wait3A_69 = tpu.memref_slice %arg2[%add3A_58, %mul3A_34] : memref<200x4096xi32, #tpu.memory_space<hbm>> -> memref<1x1024xi32, #tpu.memory_space<hbm>>
    %dma_wait3A_70 = tpu.memref_squeeze %dma_wait3A_69 : memref<1x1024xi32, #tpu.memory_space<hbm>> -> memref<1024xi32, #tpu.memory_space<hbm>>
    tpu.wait_dma2 semaphore(%arg8 : memref<!tpu.dma_semaphore, #tpu.memory_space<semaphore_mem>>) src(%dma_wait3A_70 : memref<1024xi32, #tpu.memory_space<hbm>>) dst(%dma_wait3A_68 : memref<1024xi32, #tpu.memory_space<vmem>>)
    %rem3A_71 = arith.constant 0 : i32
    %rem3A_72 = arith.constant 2 : i32
    %rem3A_73 = arith.remsi %rem3A_71, %rem3A_72 : i32
    %scan3A = arith.constant 0 : i32
    %scan3A_74 = arith.constant 64 : i32
    %scan3A_75 = arith.addi %scan3A, %scan3A_74 : i32
    %scan3A_76 = arith.constant 1 : i32
    scf.for %scan3A_205 = %scan3A to %scan3A_75 step %scan3A_76  : i32 {
      %mul3A_206 = arith.constant 16 : i32
      %mul3A_207 = arith.muli %scan3A_205, %mul3A_206 : i32
      %get3A = arith.index_cast %rem3A_73 : i32 to index
      %get3A_208 = arith.index_cast %mul3A_207 : i32 to index
      %get3A_209 = tpu.vector_load %arg5[%get3A, %get3A_208] {strides = array<i32>} : memref<2x1024xi32, #tpu.memory_space<vmem>>, vector<16xi32>,
      %and3A_210 = arith.constant -512 : i32
      %and3A_211 = vector.broadcast %and3A_210 : i32 to vector<16xi32>
      %and3A_212 = arith.andi %get3A_209, %and3A_211 : vector<16xi32>
      %and3A_213 = arith.constant 127 : i32
      %and3A_214 = vector.broadcast %and3A_213 : i32 to vector<16xi32>
      %and3A_215 = arith.andi %get3A_209, %and3A_214 : vector<16xi32>
      %shift_left3A = arith.constant 2 : i32
      %shift_left3A_216 = vector.broadcast %shift_left3A : i32 to vector<16xi32>
      %shift_left3A_217 = arith.shli %and3A_215, %shift_left3A_216 : vector<16xi32>
      %or3A = arith.ori %and3A_212, %shift_left3A_217 : vector<16xi32>
      %shift_right_arithmetic3A_218 = arith.constant 7 : i32
      %shift_right_arithmetic3A_219 = vector.broadcast %shift_right_arithmetic3A_218 : i32 to vector<16xi32>
      %shift_right_arithmetic3A_220 = arith.shrsi %get3A_209, %shift_right_arithmetic3A_219 : vector<16xi32>
      %and3A_221 = arith.constant 3 : i32
      %and3A_222 = vector.broadcast %and3A_221 : i32 to vector<16xi32>
      %and3A_223 = arith.andi %shift_right_arithmetic3A_220, %and3A_222 : vector<16xi32>
      %or3A_224 = arith.ori %or3A, %and3A_223 : vector<16xi32>
      %mul3A_225 = arith.constant 16 : i32
      %mul3A_226 = arith.muli %scan3A_205, %mul3A_225 : i32
      %swap3A = arith.index_cast %rem3A_73 : i32 to index
      %swap3A_227 = arith.index_cast %mul3A_226 : i32 to index
      %swap3A_228 = tpu.vector_load %arg5[%swap3A, %swap3A_227] {strides = array<i32>} : memref<2x1024xi32, #tpu.memory_space<vmem>>, vector<16xi32>,
      tpu.vector_store %arg5[%swap3A, %swap3A_227], %or3A_224 {strides = array<i32>} : memref<2x1024xi32, #tpu.memory_space<vmem>>, vector<16xi32>,
    }
    %scan3A_77 = arith.constant 64 : i32
    %add3A_78 = arith.constant 1 : i32
    %add3A_79 = arith.addi %mul3A_32, %add3A_78 : i32
    %rem3A_80 = arith.constant 1 : i32
    %rem3A_81 = arith.constant 2 : i32
    %rem3A_82 = arith.remsi %rem3A_80, %rem3A_81 : i32
    %dma_start3A_83 = arith.constant 0 : i32
    %dma_start3A_84 = tpu.memref_slice %arg5[%rem3A_82, %dma_start3A_83] : memref<2x1024xi32, #tpu.memory_space<vmem>> -> memref<1x1024xi32, #tpu.memory_space<vmem>>
    %dma_start3A_85 = tpu.memref_squeeze %dma_start3A_84 : memref<1x1024xi32, #tpu.memory_space<vmem>> -> memref<1024xi32, #tpu.memory_space<vmem>>
    %dma_start3A_86 = tpu.memref_slice %arg2[%add3A_79, %mul3A_34] : memref<200x4096xi32, #tpu.memory_space<hbm>> -> memref<1x1024xi32, #tpu.memory_space<hbm>>
    %dma_start3A_87 = tpu.memref_squeeze %dma_start3A_86 : memref<1x1024xi32, #tpu.memory_space<hbm>> -> memref<1024xi32, #tpu.memory_space<hbm>>
    %dma_start3A_88 = arith.constant 0 : i32
    %dma_start3A_89 = tpu.memref_slice %arg5[%rem3A_82, %dma_start3A_88] : memref<2x1024xi32, #tpu.memory_space<vmem>> -> memref<1x1024xi32, #tpu.memory_space<vmem>>
    %dma_start3A_90 = tpu.memref_squeeze %dma_start3A_89 : memref<1x1024xi32, #tpu.memory_space<vmem>> -> memref<1024xi32, #tpu.memory_space<vmem>>
    %dma_start3A_91 = tpu.memref_slice %arg2[%add3A_79, %mul3A_34] : memref<200x4096xi32, #tpu.memory_space<hbm>> -> memref<1x1024xi32, #tpu.memory_space<hbm>>
    %dma_start3A_92 = tpu.memref_squeeze %dma_start3A_91 : memref<1x1024xi32, #tpu.memory_space<hbm>> -> memref<1024xi32, #tpu.memory_space<hbm>>
    tpu.enqueue_dma source(%dma_start3A_92 : memref<1024xi32, #tpu.memory_space<hbm>>) target(%dma_start3A_90 : memref<1024xi32, #tpu.memory_space<vmem>>) target_semaphore(%arg8 : memref<!tpu.dma_semaphore, #tpu.memory_space<semaphore_mem>>)
    %rem3A_93 = arith.constant 0 : i32
    %rem3A_94 = arith.constant 2 : i32
    %rem3A_95 = arith.remsi %rem3A_93, %rem3A_94 : i32
    %dma_start3A_96 = arith.constant 0 : i32
    %dma_start3A_97 = arith.constant 0 : i32
    %dma_start3A_98 = tpu.memref_slice %arg6[%rem3A_95, %dma_start3A_96, %dma_start3A_97] : memref<2x1024x32xf32, #tpu.memory_space<vmem>> -> memref<1x512x32xf32, #tpu.memory_space<vmem>>
    %dma_start3A_99 = tpu.memref_squeeze %dma_start3A_98 : memref<1x512x32xf32, #tpu.memory_space<vmem>> -> memref<512x32xf32, #tpu.memory_space<vmem>>
    %dma_start3A_100 = arith.constant 0 : i32
    %dma_start3A_101 = tpu.memref_slice %arg5[%rem3A_95, %dma_start3A_100] : memref<2x1024xi32, #tpu.memory_space<vmem>> -> memref<1x512xi32, #tpu.memory_space<vmem>>
    %dma_start3A_102 = tpu.memref_squeeze %dma_start3A_101 : memref<1x512xi32, #tpu.memory_space<vmem>> -> memref<512xi32, #tpu.memory_space<vmem>>
    %dma_start3A_103 = arith.constant 0 : i32
    %dma_start3A_104 = arith.constant 0 : i32
    %dma_start3A_105 = tpu.memref_slice %arg3[%dma_start3A_103, %dma_start3A_104] : memref<1007616x32xf32, #tpu.memory_space<hbm>> -> memref<1007616x32xf32, #tpu.memory_space<hbm>>
    %dma_start3A_106 = tpu.memref_slice %arg9[%rem3A_95] : memref<2x!tpu.dma_semaphore, #tpu.memory_space<semaphore_mem>> -> memref<1x!tpu.dma_semaphore, #tpu.memory_space<semaphore_mem>>
    %dma_start3A_107 = tpu.memref_squeeze %dma_start3A_106 : memref<1x!tpu.dma_semaphore, #tpu.memory_space<semaphore_mem>> -> memref<!tpu.dma_semaphore, #tpu.memory_space<semaphore_mem>>
    tpu.enqueue_indirect_dma source(%dma_start3A_105 : memref<1007616x32xf32, #tpu.memory_space<hbm>>) target(%dma_start3A_99 : memref<512x32xf32, #tpu.memory_space<vmem>>) offsets(%dma_start3A_102 : memref<512xi32, #tpu.memory_space<vmem>>) semaphore(%dma_start3A_107 : memref<!tpu.dma_semaphore, #tpu.memory_space<semaphore_mem>>)
    %dma_start3A_108 = arith.constant 512 : i32
    %dma_start3A_109 = arith.constant 0 : i32
    %dma_start3A_110 = tpu.memref_slice %arg6[%rem3A_95, %dma_start3A_108, %dma_start3A_109] : memref<2x1024x32xf32, #tpu.memory_space<vmem>> -> memref<1x512x32xf32, #tpu.memory_space<vmem>>
    %dma_start3A_111 = tpu.memref_squeeze %dma_start3A_110 : memref<1x512x32xf32, #tpu.memory_space<vmem>> -> memref<512x32xf32, #tpu.memory_space<vmem>>
    %dma_start3A_112 = arith.constant 512 : i32
    %dma_start3A_113 = tpu.memref_slice %arg5[%rem3A_95, %dma_start3A_112] : memref<2x1024xi32, #tpu.memory_space<vmem>> -> memref<1x512xi32, #tpu.memory_space<vmem>>
    %dma_start3A_114 = tpu.memref_squeeze %dma_start3A_113 : memref<1x512xi32, #tpu.memory_space<vmem>> -> memref<512xi32, #tpu.memory_space<vmem>>
    %dma_start3A_115 = arith.constant 0 : i32
    %dma_start3A_116 = arith.constant 0 : i32
    %dma_start3A_117 = tpu.memref_slice %arg3[%dma_start3A_115, %dma_start3A_116] : memref<1007616x32xf32, #tpu.memory_space<hbm>> -> memref<1007616x32xf32, #tpu.memory_space<hbm>>
    %dma_start3A_118 = tpu.memref_slice %arg9[%rem3A_95] : memref<2x!tpu.dma_semaphore, #tpu.memory_space<semaphore_mem>> -> memref<1x!tpu.dma_semaphore, #tpu.memory_space<semaphore_mem>>
    %dma_start3A_119 = tpu.memref_squeeze %dma_start3A_118 : memref<1x!tpu.dma_semaphore, #tpu.memory_space<semaphore_mem>> -> memref<!tpu.dma_semaphore, #tpu.memory_space<semaphore_mem>>
    tpu.enqueue_indirect_dma source(%dma_start3A_117 : memref<1007616x32xf32, #tpu.memory_space<hbm>>) target(%dma_start3A_111 : memref<512x32xf32, #tpu.memory_space<vmem>>) offsets(%dma_start3A_114 : memref<512xi32, #tpu.memory_space<vmem>>) semaphore(%dma_start3A_119 : memref<!tpu.dma_semaphore, #tpu.memory_space<semaphore_mem>>)
    %scan3A_120 = arith.constant 0 : i32
    %scan3A_121 = arith.constant 25 : i32
    %scan3A_122 = arith.addi %scan3A_120, %scan3A_121 : i32
    %scan3A_123 = arith.constant 1 : i32
    scf.for %scan3A_205 = %scan3A_120 to %scan3A_122 step %scan3A_123  : i32 {
      %rem3A_206 = arith.constant 2 : i32
      %rem3A_207 = arith.remsi %scan3A_205, %rem3A_206 : i32
      %lt3A_208 = arith.constant 24 : i32
      %lt3A_209 = arith.cmpi slt, %scan3A_205, %lt3A_208 : i32
      %convert_element_type3A = arith.extui %lt3A_209 : i1 to i32
      %cond3A = arith.constant 0 : i32
      %cond3A_210 = arith.cmpi ne, %convert_element_type3A, %cond3A : i32
      scf.if %cond3A_210 {
        %add3A_327 = arith.constant 1 : i32
        %add3A_328 = arith.addi %scan3A_205, %add3A_327 : i32
        %add3A_329 = arith.addi %mul3A_32, %add3A_328 : i32
        %rem3A_330 = arith.constant 2 : i32
        %rem3A_331 = arith.remsi %add3A_328, %rem3A_330 : i32
        %dma_wait3A_332 = arith.constant 0 : i32
        %dma_wait3A_333 = tpu.memref_slice %arg5[%rem3A_331, %dma_wait3A_332] : memref<2x1024xi32, #tpu.memory_space<vmem>> -> memref<1x1024xi32, #tpu.memory_space<vmem>>
        %dma_wait3A_334 = tpu.memref_squeeze %dma_wait3A_333 : memref<1x1024xi32, #tpu.memory_space<vmem>> -> memref<1024xi32, #tpu.memory_space<vmem>>
        %dma_wait3A_335 = tpu.memref_slice %arg2[%add3A_329, %mul3A_34] : memref<200x4096xi32, #tpu.memory_space<hbm>> -> memref<1x1024xi32, #tpu.memory_space<hbm>>
        %dma_wait3A_336 = tpu.memref_squeeze %dma_wait3A_335 : memref<1x1024xi32, #tpu.memory_space<hbm>> -> memref<1024xi32, #tpu.memory_space<hbm>>
        %dma_wait3A_337 = arith.constant 0 : i32
        %dma_wait3A_338 = tpu.memref_slice %arg5[%rem3A_331, %dma_wait3A_337] : memref<2x1024xi32, #tpu.memory_space<vmem>> -> memref<1x1024xi32, #tpu.memory_space<vmem>>
        %dma_wait3A_339 = tpu.memref_squeeze %dma_wait3A_338 : memref<1x1024xi32, #tpu.memory_space<vmem>> -> memref<1024xi32, #tpu.memory_space<vmem>>
        %dma_wait3A_340 = tpu.memref_slice %arg2[%add3A_329, %mul3A_34] : memref<200x4096xi32, #tpu.memory_space<hbm>> -> memref<1x1024xi32, #tpu.memory_space<hbm>>
        %dma_wait3A_341 = tpu.memref_squeeze %dma_wait3A_340 : memref<1x1024xi32, #tpu.memory_space<hbm>> -> memref<1024xi32, #tpu.memory_space<hbm>>
        tpu.wait_dma2 semaphore(%arg8 : memref<!tpu.dma_semaphore, #tpu.memory_space<semaphore_mem>>) src(%dma_wait3A_341 : memref<1024xi32, #tpu.memory_space<hbm>>) dst(%dma_wait3A_339 : memref<1024xi32, #tpu.memory_space<vmem>>)
        %add3A_342 = arith.constant 1 : i32
        %add3A_343 = arith.addi %scan3A_205, %add3A_342 : i32
        %rem3A_344 = arith.constant 2 : i32
        %rem3A_345 = arith.remsi %add3A_343, %rem3A_344 : i32
        %scan3A_346 = arith.constant 0 : i32
        %scan3A_347 = arith.constant 64 : i32
        %scan3A_348 = arith.addi %scan3A_346, %scan3A_347 : i32
        %scan3A_349 = arith.constant 1 : i32
        scf.for %scan3A_379 = %scan3A_346 to %scan3A_348 step %scan3A_349  : i32 {
          %mul3A_380 = arith.constant 16 : i32
          %mul3A_381 = arith.muli %scan3A_379, %mul3A_380 : i32
          %get3A = arith.index_cast %rem3A_345 : i32 to index
          %get3A_382 = arith.index_cast %mul3A_381 : i32 to index
          %get3A_383 = tpu.vector_load %arg5[%get3A, %get3A_382] {strides = array<i32>} : memref<2x1024xi32, #tpu.memory_space<vmem>>, vector<16xi32>,
          %and3A_384 = arith.constant -512 : i32
          %and3A_385 = vector.broadcast %and3A_384 : i32 to vector<16xi32>
          %and3A_386 = arith.andi %get3A_383, %and3A_385 : vector<16xi32>
          %and3A_387 = arith.constant 127 : i32
          %and3A_388 = vector.broadcast %and3A_387 : i32 to vector<16xi32>
          %and3A_389 = arith.andi %get3A_383, %and3A_388 : vector<16xi32>
          %shift_left3A = arith.constant 2 : i32
          %shift_left3A_390 = vector.broadcast %shift_left3A : i32 to vector<16xi32>
          %shift_left3A_391 = arith.shli %and3A_389, %shift_left3A_390 : vector<16xi32>
          %or3A = arith.ori %and3A_386, %shift_left3A_391 : vector<16xi32>
          %shift_right_arithmetic3A_392 = arith.constant 7 : i32
          %shift_right_arithmetic3A_393 = vector.broadcast %shift_right_arithmetic3A_392 : i32 to vector<16xi32>
          %shift_right_arithmetic3A_394 = arith.shrsi %get3A_383, %shift_right_arithmetic3A_393 : vector<16xi32>
          %and3A_395 = arith.constant 3 : i32
          %and3A_396 = vector.broadcast %and3A_395 : i32 to vector<16xi32>
          %and3A_397 = arith.andi %shift_right_arithmetic3A_394, %and3A_396 : vector<16xi32>
          %or3A_398 = arith.ori %or3A, %and3A_397 : vector<16xi32>
          %mul3A_399 = arith.constant 16 : i32
          %mul3A_400 = arith.muli %scan3A_379, %mul3A_399 : i32
          %swap3A = arith.index_cast %rem3A_345 : i32 to index
          %swap3A_401 = arith.index_cast %mul3A_400 : i32 to index
          %swap3A_402 = tpu.vector_load %arg5[%swap3A, %swap3A_401] {strides = array<i32>} : memref<2x1024xi32, #tpu.memory_space<vmem>>, vector<16xi32>,
          tpu.vector_store %arg5[%swap3A, %swap3A_401], %or3A_398 {strides = array<i32>} : memref<2x1024xi32, #tpu.memory_space<vmem>>, vector<16xi32>,
        }
        %scan3A_350 = arith.constant 64 : i32
        %add3A_351 = arith.constant 1 : i32
        %add3A_352 = arith.addi %scan3A_205, %add3A_351 : i32
        %rem3A_353 = arith.constant 2 : i32
        %rem3A_354 = arith.remsi %add3A_352, %rem3A_353 : i32
        %dma_start3A_355 = arith.constant 0 : i32
        %dma_start3A_356 = arith.constant 0 : i32
        %dma_start3A_357 = tpu.memref_slice %arg6[%rem3A_354, %dma_start3A_355, %dma_start3A_356] : memref<2x1024x32xf32, #tpu.memory_space<vmem>> -> memref<1x512x32xf32, #tpu.memory_space<vmem>>
        %dma_start3A_358 = tpu.memref_squeeze %dma_start3A_357 : memref<1x512x32xf32, #tpu.memory_space<vmem>> -> memref<512x32xf32, #tpu.memory_space<vmem>>
        %dma_start3A_359 = arith.constant 0 : i32
        %dma_start3A_360 = tpu.memref_slice %arg5[%rem3A_354, %dma_start3A_359] : memref<2x1024xi32, #tpu.memory_space<vmem>> -> memref<1x512xi32, #tpu.memory_space<vmem>>
        %dma_start3A_361 = tpu.memref_squeeze %dma_start3A_360 : memref<1x512xi32, #tpu.memory_space<vmem>> -> memref<512xi32, #tpu.memory_space<vmem>>
        %dma_start3A_362 = arith.constant 0 : i32
        %dma_start3A_363 = arith.constant 0 : i32
        %dma_start3A_364 = tpu.memref_slice %arg3[%dma_start3A_362, %dma_start3A_363] : memref<1007616x32xf32, #tpu.memory_space<hbm>> -> memref<1007616x32xf32, #tpu.memory_space<hbm>>
        %dma_start3A_365 = tpu.memref_slice %arg9[%rem3A_354] : memref<2x!tpu.dma_semaphore, #tpu.memory_space<semaphore_mem>> -> memref<1x!tpu.dma_semaphore, #tpu.memory_space<semaphore_mem>>
        %dma_start3A_366 = tpu.memref_squeeze %dma_start3A_365 : memref<1x!tpu.dma_semaphore, #tpu.memory_space<semaphore_mem>> -> memref<!tpu.dma_semaphore, #tpu.memory_space<semaphore_mem>>
        tpu.enqueue_indirect_dma source(%dma_start3A_364 : memref<1007616x32xf32, #tpu.memory_space<hbm>>) target(%dma_start3A_358 : memref<512x32xf32, #tpu.memory_space<vmem>>) offsets(%dma_start3A_361 : memref<512xi32, #tpu.memory_space<vmem>>) semaphore(%dma_start3A_366 : memref<!tpu.dma_semaphore, #tpu.memory_space<semaphore_mem>>)
        %dma_start3A_367 = arith.constant 512 : i32
        %dma_start3A_368 = arith.constant 0 : i32
        %dma_start3A_369 = tpu.memref_slice %arg6[%rem3A_354, %dma_start3A_367, %dma_start3A_368] : memref<2x1024x32xf32, #tpu.memory_space<vmem>> -> memref<1x512x32xf32, #tpu.memory_space<vmem>>
        %dma_start3A_370 = tpu.memref_squeeze %dma_start3A_369 : memref<1x512x32xf32, #tpu.memory_space<vmem>> -> memref<512x32xf32, #tpu.memory_space<vmem>>
        %dma_start3A_371 = arith.constant 512 : i32
        %dma_start3A_372 = tpu.memref_slice %arg5[%rem3A_354, %dma_start3A_371] : memref<2x1024xi32, #tpu.memory_space<vmem>> -> memref<1x512xi32, #tpu.memory_space<vmem>>
        %dma_start3A_373 = tpu.memref_squeeze %dma_start3A_372 : memref<1x512xi32, #tpu.memory_space<vmem>> -> memref<512xi32, #tpu.memory_space<vmem>>
        %dma_start3A_374 = arith.constant 0 : i32
        %dma_start3A_375 = arith.constant 0 : i32
        %dma_start3A_376 = tpu.memref_slice %arg3[%dma_start3A_374, %dma_start3A_375] : memref<1007616x32xf32, #tpu.memory_space<hbm>> -> memref<1007616x32xf32, #tpu.memory_space<hbm>>
        %dma_start3A_377 = tpu.memref_slice %arg9[%rem3A_354] : memref<2x!tpu.dma_semaphore, #tpu.memory_space<semaphore_mem>> -> memref<1x!tpu.dma_semaphore, #tpu.memory_space<semaphore_mem>>
        %dma_start3A_378 = tpu.memref_squeeze %dma_start3A_377 : memref<1x!tpu.dma_semaphore, #tpu.memory_space<semaphore_mem>> -> memref<!tpu.dma_semaphore, #tpu.memory_space<semaphore_mem>>
        tpu.enqueue_indirect_dma source(%dma_start3A_376 : memref<1007616x32xf32, #tpu.memory_space<hbm>>) target(%dma_start3A_370 : memref<512x32xf32, #tpu.memory_space<vmem>>) offsets(%dma_start3A_373 : memref<512xi32, #tpu.memory_space<vmem>>) semaphore(%dma_start3A_378 : memref<!tpu.dma_semaphore, #tpu.memory_space<semaphore_mem>>)
      } else {
      }
      %rem3A_211 = arith.constant 2 : i32
      %rem3A_212 = arith.remsi %scan3A_205, %rem3A_211 : i32
      %dma_wait3A_213 = arith.constant 0 : i32
      %dma_wait3A_214 = arith.constant 0 : i32
      %dma_wait3A_215 = tpu.memref_slice %arg6[%rem3A_212, %dma_wait3A_213, %dma_wait3A_214] : memref<2x1024x32xf32, #tpu.memory_space<vmem>> -> memref<1x512x32xf32, #tpu.memory_space<vmem>>
      %dma_wait3A_216 = tpu.memref_squeeze %dma_wait3A_215 : memref<1x512x32xf32, #tpu.memory_space<vmem>> -> memref<512x32xf32, #tpu.memory_space<vmem>>
      %dma_wait3A_217 = arith.constant 0 : i32
      %dma_wait3A_218 = tpu.memref_slice %arg5[%rem3A_212, %dma_wait3A_217] : memref<2x1024xi32, #tpu.memory_space<vmem>> -> memref<1x512xi32, #tpu.memory_space<vmem>>
      %dma_wait3A_219 = tpu.memref_squeeze %dma_wait3A_218 : memref<1x512xi32, #tpu.memory_space<vmem>> -> memref<512xi32, #tpu.memory_space<vmem>>
      %dma_wait3A_220 = arith.constant 0 : i32
      %dma_wait3A_221 = arith.constant 0 : i32
      %dma_wait3A_222 = tpu.memref_slice %arg3[%dma_wait3A_220, %dma_wait3A_221] : memref<1007616x32xf32, #tpu.memory_space<hbm>> -> memref<1007616x32xf32, #tpu.memory_space<hbm>>
      %dma_wait3A_223 = tpu.memref_slice %arg9[%rem3A_212] : memref<2x!tpu.dma_semaphore, #tpu.memory_space<semaphore_mem>> -> memref<1x!tpu.dma_semaphore, #tpu.memory_space<semaphore_mem>>
      %dma_wait3A_224 = tpu.memref_squeeze %dma_wait3A_223 : memref<1x!tpu.dma_semaphore, #tpu.memory_space<semaphore_mem>> -> memref<!tpu.dma_semaphore, #tpu.memory_space<semaphore_mem>>
      tpu.wait_indirect_dma semaphore(%dma_wait3A_224 : memref<!tpu.dma_semaphore, #tpu.memory_space<semaphore_mem>>) src(%dma_wait3A_222 : memref<1007616x32xf32, #tpu.memory_space<hbm>>) dst(%dma_wait3A_216 : memref<512x32xf32, #tpu.memory_space<vmem>>)
      %dma_wait3A_225 = arith.constant 512 : i32
      %dma_wait3A_226 = arith.constant 0 : i32
      %dma_wait3A_227 = tpu.memref_slice %arg6[%rem3A_212, %dma_wait3A_225, %dma_wait3A_226] : memref<2x1024x32xf32, #tpu.memory_space<vmem>> -> memref<1x512x32xf32, #tpu.memory_space<vmem>>
      %dma_wait3A_228 = tpu.memref_squeeze %dma_wait3A_227 : memref<1x512x32xf32, #tpu.memory_space<vmem>> -> memref<512x32xf32, #tpu.memory_space<vmem>>
      %dma_wait3A_229 = arith.constant 512 : i32
      %dma_wait3A_230 = tpu.memref_slice %arg5[%rem3A_212, %dma_wait3A_229] : memref<2x1024xi32, #tpu.memory_space<vmem>> -> memref<1x512xi32, #tpu.memory_space<vmem>>
      %dma_wait3A_231 = tpu.memref_squeeze %dma_wait3A_230 : memref<1x512xi32, #tpu.memory_space<vmem>> -> memref<512xi32, #tpu.memory_space<vmem>>
      %dma_wait3A_232 = arith.constant 0 : i32
      %dma_wait3A_233 = arith.constant 0 : i32
      %dma_wait3A_234 = tpu.memref_slice %arg3[%dma_wait3A_232, %dma_wait3A_233] : memref<1007616x32xf32, #tpu.memory_space<hbm>> -> memref<1007616x32xf32, #tpu.memory_space<hbm>>
      %dma_wait3A_235 = tpu.memref_slice %arg9[%rem3A_212] : memref<2x!tpu.dma_semaphore, #tpu.memory_space<semaphore_mem>> -> memref<1x!tpu.dma_semaphore, #tpu.memory_space<semaphore_mem>>
      %dma_wait3A_236 = tpu.memref_squeeze %dma_wait3A_235 : memref<1x!tpu.dma_semaphore, #tpu.memory_space<semaphore_mem>> -> memref<!tpu.dma_semaphore, #tpu.memory_space<semaphore_mem>>
      tpu.wait_indirect_dma semaphore(%dma_wait3A_236 : memref<!tpu.dma_semaphore, #tpu.memory_space<semaphore_mem>>) src(%dma_wait3A_234 : memref<1007616x32xf32, #tpu.memory_space<hbm>>) dst(%dma_wait3A_228 : memref<512x32xf32, #tpu.memory_space<vmem>>)
      %lt3A_237 = arith.constant 23 : i32
      %lt3A_238 = arith.cmpi slt, %scan3A_205, %lt3A_237 : i32
      %convert_element_type3A_239 = arith.extui %lt3A_238 : i1 to i32
      %cond3A_240 = arith.constant 0 : i32
      %cond3A_241 = arith.cmpi ne, %convert_element_type3A_239, %cond3A_240 : i32
      scf.if %cond3A_241 {
        %add3A_327 = arith.constant 2 : i32
        %add3A_328 = arith.addi %scan3A_205, %add3A_327 : i32
        %add3A_329 = arith.addi %mul3A_32, %add3A_328 : i32
        %rem3A_330 = arith.constant 2 : i32
        %rem3A_331 = arith.remsi %add3A_328, %rem3A_330 : i32
        %dma_start3A_332 = arith.constant 0 : i32
        %dma_start3A_333 = tpu.memref_slice %arg5[%rem3A_331, %dma_start3A_332] : memref<2x1024xi32, #tpu.memory_space<vmem>> -> memref<1x1024xi32, #tpu.memory_space<vmem>>
        %dma_start3A_334 = tpu.memref_squeeze %dma_start3A_333 : memref<1x1024xi32, #tpu.memory_space<vmem>> -> memref<1024xi32, #tpu.memory_space<vmem>>
        %dma_start3A_335 = tpu.memref_slice %arg2[%add3A_329, %mul3A_34] : memref<200x4096xi32, #tpu.memory_space<hbm>> -> memref<1x1024xi32, #tpu.memory_space<hbm>>
        %dma_start3A_336 = tpu.memref_squeeze %dma_start3A_335 : memref<1x1024xi32, #tpu.memory_space<hbm>> -> memref<1024xi32, #tpu.memory_space<hbm>>
        %dma_start3A_337 = arith.constant 0 : i32
        %dma_start3A_338 = tpu.memref_slice %arg5[%rem3A_331, %dma_start3A_337] : memref<2x1024xi32, #tpu.memory_space<vmem>> -> memref<1x1024xi32, #tpu.memory_space<vmem>>
        %dma_start3A_339 = tpu.memref_squeeze %dma_start3A_338 : memref<1x1024xi32, #tpu.memory_space<vmem>> -> memref<1024xi32, #tpu.memory_space<vmem>>
        %dma_start3A_340 = tpu.memref_slice %arg2[%add3A_329, %mul3A_34] : memref<200x4096xi32, #tpu.memory_space<hbm>> -> memref<1x1024xi32, #tpu.memory_space<hbm>>
        %dma_start3A_341 = tpu.memref_squeeze %dma_start3A_340 : memref<1x1024xi32, #tpu.memory_space<hbm>> -> memref<1024xi32, #tpu.memory_space<hbm>>
        tpu.enqueue_dma source(%dma_start3A_341 : memref<1024xi32, #tpu.memory_space<hbm>>) target(%dma_start3A_339 : memref<1024xi32, #tpu.memory_space<vmem>>) target_semaphore(%arg8 : memref<!tpu.dma_semaphore, #tpu.memory_space<semaphore_mem>>)
      } else {
      }
      %ge3A = arith.constant 1 : i32
      %ge3A_242 = arith.cmpi sge, %scan3A_205, %ge3A : i32
      %convert_element_type3A_243 = arith.extui %ge3A_242 : i1 to i32
      %cond3A_244 = arith.constant 0 : i32
      %cond3A_245 = arith.cmpi ne, %convert_element_type3A_243, %cond3A_244 : i32
      scf.if %cond3A_245 {
        %sub3A_327 = arith.constant 1 : i32
        %sub3A_328 = arith.subi %scan3A_205, %sub3A_327 : i32
        %add3A_329 = arith.addi %mul3A_32, %sub3A_328 : i32
        %mul3A_330 = arith.constant 64 : i32
        %mul3A_331 = arith.muli %mul3A_330, %select_n3A : i32
        %add3A_332 = arith.addi %mul3A_32, %sub3A_328 : i32
        %mul3A_333 = arith.constant 64 : i32
        %mul3A_334 = arith.muli %mul3A_333, %select_n3A : i32
        %add3A_335 = arith.addi %mul3A_32, %sub3A_328 : i32
        %mul3A_336 = arith.constant 64 : i32
        %mul3A_337 = arith.muli %mul3A_336, %select_n3A : i32
        %add3A_338 = arith.addi %mul3A_32, %sub3A_328 : i32
        %mul3A_339 = arith.constant 64 : i32
        %mul3A_340 = arith.muli %mul3A_339, %select_n3A : i32
        %dma_wait3A_341 = arith.constant 0 : i32
        %dma_wait3A_342 = arith.constant 0 : i32
        %dma_wait3A_343 = arith.constant 0 : i32
        %dma_wait3A_344 = arith.constant 0 : i32
        %dma_wait3A_345 = tpu.memref_slice %arg7[%dma_wait3A_341, %dma_wait3A_343, %dma_wait3A_344] : memref<4x64x129xf32, #tpu.memory_space<vmem>> -> memref<1x64x128xf32, #tpu.memory_space<vmem>>
        %dma_wait3A_346 = tpu.memref_squeeze %dma_wait3A_345 : memref<1x64x128xf32, #tpu.memory_space<vmem>> -> memref<64x128xf32, #tpu.memory_space<vmem>>
        %dma_wait3A_347 = arith.constant 0 : i32
        %dma_wait3A_348 = tpu.memref_slice %arg4[%add3A_329, %dma_wait3A_342, %mul3A_331, %dma_wait3A_347] : memref<200x4x256x128xf32, #tpu.memory_space<hbm>> -> memref<1x1x64x128xf32, #tpu.memory_space<hbm>>
        %dma_wait3A_349 = tpu.memref_squeeze %dma_wait3A_348 : memref<1x1x64x128xf32, #tpu.memory_space<hbm>> -> memref<64x128xf32, #tpu.memory_space<hbm>>
        %dma_wait3A_350 = arith.constant 0 : i32
        %dma_wait3A_351 = tpu.memref_slice %arg4[%add3A_329, %dma_wait3A_342, %mul3A_331, %dma_wait3A_350] : memref<200x4x256x128xf32, #tpu.memory_space<hbm>> -> memref<1x1x64x128xf32, #tpu.memory_space<hbm>>
        %dma_wait3A_352 = tpu.memref_squeeze %dma_wait3A_351 : memref<1x1x64x128xf32, #tpu.memory_space<hbm>> -> memref<64x128xf32, #tpu.memory_space<hbm>>
        %dma_wait3A_353 = arith.constant 0 : i32
        %dma_wait3A_354 = arith.constant 0 : i32
        %dma_wait3A_355 = tpu.memref_slice %arg7[%dma_wait3A_341, %dma_wait3A_353, %dma_wait3A_354] : memref<4x64x129xf32, #tpu.memory_space<vmem>> -> memref<1x64x128xf32, #tpu.memory_space<vmem>>
        %dma_wait3A_356 = tpu.memref_squeeze %dma_wait3A_355 : memref<1x64x128xf32, #tpu.memory_space<vmem>> -> memref<64x128xf32, #tpu.memory_space<vmem>>
        tpu.wait_dma2 semaphore(%arg10 : memref<!tpu.dma_semaphore, #tpu.memory_space<semaphore_mem>>) src(%dma_wait3A_356 : memref<64x128xf32, #tpu.memory_space<vmem>>) dst(%dma_wait3A_352 : memref<64x128xf32, #tpu.memory_space<hbm>>)
        %dma_wait3A_357 = arith.constant 1 : i32
        %dma_wait3A_358 = arith.constant 1 : i32
        %dma_wait3A_359 = arith.constant 0 : i32
        %dma_wait3A_360 = arith.constant 0 : i32
        %dma_wait3A_361 = tpu.memref_slice %arg7[%dma_wait3A_357, %dma_wait3A_359, %dma_wait3A_360] : memref<4x64x129xf32, #tpu.memory_space<vmem>> -> memref<1x64x128xf32, #tpu.memory_space<vmem>>
        %dma_wait3A_362 = tpu.memref_squeeze %dma_wait3A_361 : memref<1x64x128xf32, #tpu.memory_space<vmem>> -> memref<64x128xf32, #tpu.memory_space<vmem>>
        %dma_wait3A_363 = arith.constant 0 : i32
        %dma_wait3A_364 = tpu.memref_slice %arg4[%add3A_332, %dma_wait3A_358, %mul3A_334, %dma_wait3A_363] : memref<200x4x256x128xf32, #tpu.memory_space<hbm>> -> memref<1x1x64x128xf32, #tpu.memory_space<hbm>>
        %dma_wait3A_365 = tpu.memref_squeeze %dma_wait3A_364 : memref<1x1x64x128xf32, #tpu.memory_space<hbm>> -> memref<64x128xf32, #tpu.memory_space<hbm>>
        %dma_wait3A_366 = arith.constant 0 : i32
        %dma_wait3A_367 = tpu.memref_slice %arg4[%add3A_332, %dma_wait3A_358, %mul3A_334, %dma_wait3A_366] : memref<200x4x256x128xf32, #tpu.memory_space<hbm>> -> memref<1x1x64x128xf32, #tpu.memory_space<hbm>>
        %dma_wait3A_368 = tpu.memref_squeeze %dma_wait3A_367 : memref<1x1x64x128xf32, #tpu.memory_space<hbm>> -> memref<64x128xf32, #tpu.memory_space<hbm>>
        %dma_wait3A_369 = arith.constant 0 : i32
        %dma_wait3A_370 = arith.constant 0 : i32
        %dma_wait3A_371 = tpu.memref_slice %arg7[%dma_wait3A_357, %dma_wait3A_369, %dma_wait3A_370] : memref<4x64x129xf32, #tpu.memory_space<vmem>> -> memref<1x64x128xf32, #tpu.memory_space<vmem>>
        %dma_wait3A_372 = tpu.memref_squeeze %dma_wait3A_371 : memref<1x64x128xf32, #tpu.memory_space<vmem>> -> memref<64x128xf32, #tpu.memory_space<vmem>>
        tpu.wait_dma2 semaphore(%arg10 : memref<!tpu.dma_semaphore, #tpu.memory_space<semaphore_mem>>) src(%dma_wait3A_372 : memref<64x128xf32, #tpu.memory_space<vmem>>) dst(%dma_wait3A_368 : memref<64x128xf32, #tpu.memory_space<hbm>>)
        %dma_wait3A_373 = arith.constant 2 : i32
        %dma_wait3A_374 = arith.constant 2 : i32
        %dma_wait3A_375 = arith.constant 0 : i32
        %dma_wait3A_376 = arith.constant 0 : i32
        %dma_wait3A_377 = tpu.memref_slice %arg7[%dma_wait3A_373, %dma_wait3A_375, %dma_wait3A_376] : memref<4x64x129xf32, #tpu.memory_space<vmem>> -> memref<1x64x128xf32, #tpu.memory_space<vmem>>
        %dma_wait3A_378 = tpu.memref_squeeze %dma_wait3A_377 : memref<1x64x128xf32, #tpu.memory_space<vmem>> -> memref<64x128xf32, #tpu.memory_space<vmem>>
        %dma_wait3A_379 = arith.constant 0 : i32
        %dma_wait3A_380 = tpu.memref_slice %arg4[%add3A_335, %dma_wait3A_374, %mul3A_337, %dma_wait3A_379] : memref<200x4x256x128xf32, #tpu.memory_space<hbm>> -> memref<1x1x64x128xf32, #tpu.memory_space<hbm>>
        %dma_wait3A_381 = tpu.memref_squeeze %dma_wait3A_380 : memref<1x1x64x128xf32, #tpu.memory_space<hbm>> -> memref<64x128xf32, #tpu.memory_space<hbm>>
        %dma_wait3A_382 = arith.constant 0 : i32
        %dma_wait3A_383 = tpu.memref_slice %arg4[%add3A_335, %dma_wait3A_374, %mul3A_337, %dma_wait3A_382] : memref<200x4x256x128xf32, #tpu.memory_space<hbm>> -> memref<1x1x64x128xf32, #tpu.memory_space<hbm>>
        %dma_wait3A_384 = tpu.memref_squeeze %dma_wait3A_383 : memref<1x1x64x128xf32, #tpu.memory_space<hbm>> -> memref<64x128xf32, #tpu.memory_space<hbm>>
        %dma_wait3A_385 = arith.constant 0 : i32
        %dma_wait3A_386 = arith.constant 0 : i32
        %dma_wait3A_387 = tpu.memref_slice %arg7[%dma_wait3A_373, %dma_wait3A_385, %dma_wait3A_386] : memref<4x64x129xf32, #tpu.memory_space<vmem>> -> memref<1x64x128xf32, #tpu.memory_space<vmem>>
        %dma_wait3A_388 = tpu.memref_squeeze %dma_wait3A_387 : memref<1x64x128xf32, #tpu.memory_space<vmem>> -> memref<64x128xf32, #tpu.memory_space<vmem>>
        tpu.wait_dma2 semaphore(%arg10 : memref<!tpu.dma_semaphore, #tpu.memory_space<semaphore_mem>>) src(%dma_wait3A_388 : memref<64x128xf32, #tpu.memory_space<vmem>>) dst(%dma_wait3A_384 : memref<64x128xf32, #tpu.memory_space<hbm>>)
        %dma_wait3A_389 = arith.constant 3 : i32
        %dma_wait3A_390 = arith.constant 3 : i32
        %dma_wait3A_391 = arith.constant 0 : i32
        %dma_wait3A_392 = arith.constant 0 : i32
        %dma_wait3A_393 = tpu.memref_slice %arg7[%dma_wait3A_389, %dma_wait3A_391, %dma_wait3A_392] : memref<4x64x129xf32, #tpu.memory_space<vmem>> -> memref<1x64x128xf32, #tpu.memory_space<vmem>>
        %dma_wait3A_394 = tpu.memref_squeeze %dma_wait3A_393 : memref<1x64x128xf32, #tpu.memory_space<vmem>> -> memref<64x128xf32, #tpu.memory_space<vmem>>
        %dma_wait3A_395 = arith.constant 0 : i32
        %dma_wait3A_396 = tpu.memref_slice %arg4[%add3A_338, %dma_wait3A_390, %mul3A_340, %dma_wait3A_395] : memref<200x4x256x128xf32, #tpu.memory_space<hbm>> -> memref<1x1x64x128xf32, #tpu.memory_space<hbm>>
        %dma_wait3A_397 = tpu.memref_squeeze %dma_wait3A_396 : memref<1x1x64x128xf32, #tpu.memory_space<hbm>> -> memref<64x128xf32, #tpu.memory_space<hbm>>
        %dma_wait3A_398 = arith.constant 0 : i32
        %dma_wait3A_399 = tpu.memref_slice %arg4[%add3A_338, %dma_wait3A_390, %mul3A_340, %dma_wait3A_398] : memref<200x4x256x128xf32, #tpu.memory_space<hbm>> -> memref<1x1x64x128xf32, #tpu.memory_space<hbm>>
        %dma_wait3A_400 = tpu.memref_squeeze %dma_wait3A_399 : memref<1x1x64x128xf32, #tpu.memory_space<hbm>> -> memref<64x128xf32, #tpu.memory_space<hbm>>
        %dma_wait3A_401 = arith.constant 0 : i32
        %dma_wait3A_402 = arith.constant 0 : i32
        %dma_wait3A_403 = tpu.memref_slice %arg7[%dma_wait3A_389, %dma_wait3A_401, %dma_wait3A_402] : memref<4x64x129xf32, #tpu.memory_space<vmem>> -> memref<1x64x128xf32, #tpu.memory_space<vmem>>
        %dma_wait3A_404 = tpu.memref_squeeze %dma_wait3A_403 : memref<1x64x128xf32, #tpu.memory_space<vmem>> -> memref<64x128xf32, #tpu.memory_space<vmem>>
        tpu.wait_dma2 semaphore(%arg10 : memref<!tpu.dma_semaphore, #tpu.memory_space<semaphore_mem>>) src(%dma_wait3A_404 : memref<64x128xf32, #tpu.memory_space<vmem>>) dst(%dma_wait3A_400 : memref<64x128xf32, #tpu.memory_space<hbm>>)
      } else {
      }
      %scan3A_246 = arith.constant 0 : i32
      %scan3A_247 = arith.constant 128 : i32
      %scan3A_248 = arith.addi %scan3A_246, %scan3A_247 : i32
      %scan3A_249 = arith.constant 1 : i32
      scf.for %scan3A_327 = %scan3A_246 to %scan3A_248 step %scan3A_249  : i32 {
        %mul3A_328 = arith.constant 8 : i32
        %mul3A_329 = arith.muli %scan3A_327, %mul3A_328 : i32
        %add3A_330 = arith.constant 0 : i32
        %add3A_331 = arith.addi %mul3A_329, %add3A_330 : i32
        %shift_right_arithmetic3A_332 = arith.constant 7 : i32
        %shift_right_arithmetic3A_333 = arith.shrsi %add3A_331, %shift_right_arithmetic3A_332 : i32
        %and3A_334 = arith.constant 127 : i32
        %and3A_335 = arith.andi %add3A_331, %and3A_334 : i32
        %broadcast_in_dim3A = vector.broadcast %and3A_335 : i32 to vector<16xi32>
        %mul3A_336 = arith.constant 8 : i32
        %mul3A_337 = arith.muli %shift_right_arithmetic3A_333, %mul3A_336 : i32
        %broadcast_in_dim3A_338 = vector.broadcast %mul3A_337 : i32 to vector<16xi32>
        %add3A_339 = arith.addi %broadcast_in_dim3A_338, %and3A_42 : vector<16xi32>
        %get3A = arith.index_cast %rem3A_207 : i32 to index
        %get3A_340 = arith.index_cast %add3A_331 : i32 to index
        %get3A_341 = arith.constant 0 : index
        %get3A_342 = tpu.vector_load %arg6[%get3A, %get3A_340, %get3A_341] {strides = array<i32>} : memref<2x1024x32xf32, #tpu.memory_space<vmem>>, vector<16xf32>,
        %get3A_343 = arith.index_cast %rem3A_207 : i32 to index
        %get3A_344 = arith.index_cast %add3A_331 : i32 to index
        %get3A_345 = arith.constant 16 : index
        %get3A_346 = tpu.vector_load %arg6[%get3A_343, %get3A_344, %get3A_345] {strides = array<i32>} : memref<2x1024x32xf32, #tpu.memory_space<vmem>>, vector<16xf32>,
        tpu.vector_store_idx %arg7[%shift_right_arithmetic3A_36, %add3A_339, %broadcast_in_dim3A], %get3A_342 : memref<4x64x129xf32, #tpu.memory_space<vmem>>[vector<16xi32>, vector<16xi32>, vector<16xi32>], vector<16xf32>,
        tpu.vector_store_idx %arg7[%add3A_39, %add3A_339, %broadcast_in_dim3A], %get3A_346 : memref<4x64x129xf32, #tpu.memory_space<vmem>>[vector<16xi32>, vector<16xi32>, vector<16xi32>], vector<16xf32>,
        %mul3A_347 = arith.constant 8 : i32
        %mul3A_348 = arith.muli %scan3A_327, %mul3A_347 : i32
        %add3A_349 = arith.constant 1 : i32
        %add3A_350 = arith.addi %mul3A_348, %add3A_349 : i32
        %shift_right_arithmetic3A_351 = arith.constant 7 : i32
        %shift_right_arithmetic3A_352 = arith.shrsi %add3A_350, %shift_right_arithmetic3A_351 : i32
        %and3A_353 = arith.constant 127 : i32
        %and3A_354 = arith.andi %add3A_350, %and3A_353 : i32
        %broadcast_in_dim3A_355 = vector.broadcast %and3A_354 : i32 to vector<16xi32>
        %mul3A_356 = arith.constant 8 : i32
        %mul3A_357 = arith.muli %shift_right_arithmetic3A_352, %mul3A_356 : i32
        %broadcast_in_dim3A_358 = vector.broadcast %mul3A_357 : i32 to vector<16xi32>
        %add3A_359 = arith.addi %broadcast_in_dim3A_358, %and3A_42 : vector<16xi32>
        %get3A_360 = arith.index_cast %rem3A_207 : i32 to index
        %get3A_361 = arith.index_cast %add3A_350 : i32 to index
        %get3A_362 = arith.constant 0 : index
        %get3A_363 = tpu.vector_load %arg6[%get3A_360, %get3A_361, %get3A_362] {strides = array<i32>} : memref<2x1024x32xf32, #tpu.memory_space<vmem>>, vector<16xf32>,
        %get3A_364 = arith.index_cast %rem3A_207 : i32 to index
        %get3A_365 = arith.index_cast %add3A_350 : i32 to index
        %get3A_366 = arith.constant 16 : index
        %get3A_367 = tpu.vector_load %arg6[%get3A_364, %get3A_365, %get3A_366] {strides = array<i32>} : memref<2x1024x32xf32, #tpu.memory_space<vmem>>, vector<16xf32>,
        tpu.vector_store_idx %arg7[%shift_right_arithmetic3A_36, %add3A_359, %broadcast_in_dim3A_355], %get3A_363 : memref<4x64x129xf32, #tpu.memory_space<vmem>>[vector<16xi32>, vector<16xi32>, vector<16xi32>], vector<16xf32>,
        tpu.vector_store_idx %arg7[%add3A_39, %add3A_359, %broadcast_in_dim3A_355], %get3A_367 : memref<4x64x129xf32, #tpu.memory_space<vmem>>[vector<16xi32>, vector<16xi32>, vector<16xi32>], vector<16xf32>,
        %mul3A_368 = arith.constant 8 : i32
        %mul3A_369 = arith.muli %scan3A_327, %mul3A_368 : i32
        %add3A_370 = arith.constant 2 : i32
        %add3A_371 = arith.addi %mul3A_369, %add3A_370 : i32
        %shift_right_arithmetic3A_372 = arith.constant 7 : i32
        %shift_right_arithmetic3A_373 = arith.shrsi %add3A_371, %shift_right_arithmetic3A_372 : i32
        %and3A_374 = arith.constant 127 : i32
        %and3A_375 = arith.andi %add3A_371, %and3A_374 : i32
        %broadcast_in_dim3A_376 = vector.broadcast %and3A_375 : i32 to vector<16xi32>
        %mul3A_377 = arith.constant 8 : i32
        %mul3A_378 = arith.muli %shift_right_arithmetic3A_373, %mul3A_377 : i32
        %broadcast_in_dim3A_379 = vector.broadcast %mul3A_378 : i32 to vector<16xi32>
        %add3A_380 = arith.addi %broadcast_in_dim3A_379, %and3A_42 : vector<16xi32>
        %get3A_381 = arith.index_cast %rem3A_207 : i32 to index
        %get3A_382 = arith.index_cast %add3A_371 : i32 to index
        %get3A_383 = arith.constant 0 : index
        %get3A_384 = tpu.vector_load %arg6[%get3A_381, %get3A_382, %get3A_383] {strides = array<i32>} : memref<2x1024x32xf32, #tpu.memory_space<vmem>>, vector<16xf32>,
        %get3A_385 = arith.index_cast %rem3A_207 : i32 to index
        %get3A_386 = arith.index_cast %add3A_371 : i32 to index
        %get3A_387 = arith.constant 16 : index
        %get3A_388 = tpu.vector_load %arg6[%get3A_385, %get3A_386, %get3A_387] {strides = array<i32>} : memref<2x1024x32xf32, #tpu.memory_space<vmem>>, vector<16xf32>,
        tpu.vector_store_idx %arg7[%shift_right_arithmetic3A_36, %add3A_380, %broadcast_in_dim3A_376], %get3A_384 : memref<4x64x129xf32, #tpu.memory_space<vmem>>[vector<16xi32>, vector<16xi32>, vector<16xi32>], vector<16xf32>,
        tpu.vector_store_idx %arg7[%add3A_39, %add3A_380, %broadcast_in_dim3A_376], %get3A_388 : memref<4x64x129xf32, #tpu.memory_space<vmem>>[vector<16xi32>, vector<16xi32>, vector<16xi32>], vector<16xf32>,
        %mul3A_389 = arith.constant 8 : i32
        %mul3A_390 = arith.muli %scan3A_327, %mul3A_389 : i32
        %add3A_391 = arith.constant 3 : i32
        %add3A_392 = arith.addi %mul3A_390, %add3A_391 : i32
        %shift_right_arithmetic3A_393 = arith.constant 7 : i32
        %shift_right_arithmetic3A_394 = arith.shrsi %add3A_392, %shift_right_arithmetic3A_393 : i32
        %and3A_395 = arith.constant 127 : i32
        %and3A_396 = arith.andi %add3A_392, %and3A_395 : i32
        %broadcast_in_dim3A_397 = vector.broadcast %and3A_396 : i32 to vector<16xi32>
        %mul3A_398 = arith.constant 8 : i32
        %mul3A_399 = arith.muli %shift_right_arithmetic3A_394, %mul3A_398 : i32
        %broadcast_in_dim3A_400 = vector.broadcast %mul3A_399 : i32 to vector<16xi32>
        %add3A_401 = arith.addi %broadcast_in_dim3A_400, %and3A_42 : vector<16xi32>
        %get3A_402 = arith.index_cast %rem3A_207 : i32 to index
        %get3A_403 = arith.index_cast %add3A_392 : i32 to index
        %get3A_404 = arith.constant 0 : index
        %get3A_405 = tpu.vector_load %arg6[%get3A_402, %get3A_403, %get3A_404] {strides = array<i32>} : memref<2x1024x32xf32, #tpu.memory_space<vmem>>, vector<16xf32>,
        %get3A_406 = arith.index_cast %rem3A_207 : i32 to index
        %get3A_407 = arith.index_cast %add3A_392 : i32 to index
        %get3A_408 = arith.constant 16 : index
        %get3A_409 = tpu.vector_load %arg6[%get3A_406, %get3A_407, %get3A_408] {strides = array<i32>} : memref<2x1024x32xf32, #tpu.memory_space<vmem>>, vector<16xf32>,
        tpu.vector_store_idx %arg7[%shift_right_arithmetic3A_36, %add3A_401, %broadcast_in_dim3A_397], %get3A_405 : memref<4x64x129xf32, #tpu.memory_space<vmem>>[vector<16xi32>, vector<16xi32>, vector<16xi32>], vector<16xf32>,
        tpu.vector_store_idx %arg7[%add3A_39, %add3A_401, %broadcast_in_dim3A_397], %get3A_409 : memref<4x64x129xf32, #tpu.memory_space<vmem>>[vector<16xi32>, vector<16xi32>, vector<16xi32>], vector<16xf32>,
        %mul3A_410 = arith.constant 8 : i32
        %mul3A_411 = arith.muli %scan3A_327, %mul3A_410 : i32
        %add3A_412 = arith.constant 4 : i32
        %add3A_413 = arith.addi %mul3A_411, %add3A_412 : i32
        %shift_right_arithmetic3A_414 = arith.constant 7 : i32
        %shift_right_arithmetic3A_415 = arith.shrsi %add3A_413, %shift_right_arithmetic3A_414 : i32
        %and3A_416 = arith.constant 127 : i32
        %and3A_417 = arith.andi %add3A_413, %and3A_416 : i32
        %broadcast_in_dim3A_418 = vector.broadcast %and3A_417 : i32 to vector<16xi32>
        %mul3A_419 = arith.constant 8 : i32
        %mul3A_420 = arith.muli %shift_right_arithmetic3A_415, %mul3A_419 : i32
        %broadcast_in_dim3A_421 = vector.broadcast %mul3A_420 : i32 to vector<16xi32>
        %add3A_422 = arith.addi %broadcast_in_dim3A_421, %and3A_42 : vector<16xi32>
        %get3A_423 = arith.index_cast %rem3A_207 : i32 to index
        %get3A_424 = arith.index_cast %add3A_413 : i32 to index
        %get3A_425 = arith.constant 0 : index
        %get3A_426 = tpu.vector_load %arg6[%get3A_423, %get3A_424, %get3A_425] {strides = array<i32>} : memref<2x1024x32xf32, #tpu.memory_space<vmem>>, vector<16xf32>,
        %get3A_427 = arith.index_cast %rem3A_207 : i32 to index
        %get3A_428 = arith.index_cast %add3A_413 : i32 to index
        %get3A_429 = arith.constant 16 : index
        %get3A_430 = tpu.vector_load %arg6[%get3A_427, %get3A_428, %get3A_429] {strides = array<i32>} : memref<2x1024x32xf32, #tpu.memory_space<vmem>>, vector<16xf32>,
        tpu.vector_store_idx %arg7[%shift_right_arithmetic3A_36, %add3A_422, %broadcast_in_dim3A_418], %get3A_426 : memref<4x64x129xf32, #tpu.memory_space<vmem>>[vector<16xi32>, vector<16xi32>, vector<16xi32>], vector<16xf32>,
        tpu.vector_store_idx %arg7[%add3A_39, %add3A_422, %broadcast_in_dim3A_418], %get3A_430 : memref<4x64x129xf32, #tpu.memory_space<vmem>>[vector<16xi32>, vector<16xi32>, vector<16xi32>], vector<16xf32>,
        %mul3A_431 = arith.constant 8 : i32
        %mul3A_432 = arith.muli %scan3A_327, %mul3A_431 : i32
        %add3A_433 = arith.constant 5 : i32
        %add3A_434 = arith.addi %mul3A_432, %add3A_433 : i32
        %shift_right_arithmetic3A_435 = arith.constant 7 : i32
        %shift_right_arithmetic3A_436 = arith.shrsi %add3A_434, %shift_right_arithmetic3A_435 : i32
        %and3A_437 = arith.constant 127 : i32
        %and3A_438 = arith.andi %add3A_434, %and3A_437 : i32
        %broadcast_in_dim3A_439 = vector.broadcast %and3A_438 : i32 to vector<16xi32>
        %mul3A_440 = arith.constant 8 : i32
        %mul3A_441 = arith.muli %shift_right_arithmetic3A_436, %mul3A_440 : i32
        %broadcast_in_dim3A_442 = vector.broadcast %mul3A_441 : i32 to vector<16xi32>
        %add3A_443 = arith.addi %broadcast_in_dim3A_442, %and3A_42 : vector<16xi32>
        %get3A_444 = arith.index_cast %rem3A_207 : i32 to index
        %get3A_445 = arith.index_cast %add3A_434 : i32 to index
        %get3A_446 = arith.constant 0 : index
        %get3A_447 = tpu.vector_load %arg6[%get3A_444, %get3A_445, %get3A_446] {strides = array<i32>} : memref<2x1024x32xf32, #tpu.memory_space<vmem>>, vector<16xf32>,
        %get3A_448 = arith.index_cast %rem3A_207 : i32 to index
        %get3A_449 = arith.index_cast %add3A_434 : i32 to index
        %get3A_450 = arith.constant 16 : index
        %get3A_451 = tpu.vector_load %arg6[%get3A_448, %get3A_449, %get3A_450] {strides = array<i32>} : memref<2x1024x32xf32, #tpu.memory_space<vmem>>, vector<16xf32>,
        tpu.vector_store_idx %arg7[%shift_right_arithmetic3A_36, %add3A_443, %broadcast_in_dim3A_439], %get3A_447 : memref<4x64x129xf32, #tpu.memory_space<vmem>>[vector<16xi32>, vector<16xi32>, vector<16xi32>], vector<16xf32>,
        tpu.vector_store_idx %arg7[%add3A_39, %add3A_443, %broadcast_in_dim3A_439], %get3A_451 : memref<4x64x129xf32, #tpu.memory_space<vmem>>[vector<16xi32>, vector<16xi32>, vector<16xi32>], vector<16xf32>,
        %mul3A_452 = arith.constant 8 : i32
        %mul3A_453 = arith.muli %scan3A_327, %mul3A_452 : i32
        %add3A_454 = arith.constant 6 : i32
        %add3A_455 = arith.addi %mul3A_453, %add3A_454 : i32
        %shift_right_arithmetic3A_456 = arith.constant 7 : i32
        %shift_right_arithmetic3A_457 = arith.shrsi %add3A_455, %shift_right_arithmetic3A_456 : i32
        %and3A_458 = arith.constant 127 : i32
        %and3A_459 = arith.andi %add3A_455, %and3A_458 : i32
        %broadcast_in_dim3A_460 = vector.broadcast %and3A_459 : i32 to vector<16xi32>
        %mul3A_461 = arith.constant 8 : i32
        %mul3A_462 = arith.muli %shift_right_arithmetic3A_457, %mul3A_461 : i32
        %broadcast_in_dim3A_463 = vector.broadcast %mul3A_462 : i32 to vector<16xi32>
        %add3A_464 = arith.addi %broadcast_in_dim3A_463, %and3A_42 : vector<16xi32>
        %get3A_465 = arith.index_cast %rem3A_207 : i32 to index
        %get3A_466 = arith.index_cast %add3A_455 : i32 to index
        %get3A_467 = arith.constant 0 : index
        %get3A_468 = tpu.vector_load %arg6[%get3A_465, %get3A_466, %get3A_467] {strides = array<i32>} : memref<2x1024x32xf32, #tpu.memory_space<vmem>>, vector<16xf32>,
        %get3A_469 = arith.index_cast %rem3A_207 : i32 to index
        %get3A_470 = arith.index_cast %add3A_455 : i32 to index
        %get3A_471 = arith.constant 16 : index
        %get3A_472 = tpu.vector_load %arg6[%get3A_469, %get3A_470, %get3A_471] {strides = array<i32>} : memref<2x1024x32xf32, #tpu.memory_space<vmem>>, vector<16xf32>,
        tpu.vector_store_idx %arg7[%shift_right_arithmetic3A_36, %add3A_464, %broadcast_in_dim3A_460], %get3A_468 : memref<4x64x129xf32, #tpu.memory_space<vmem>>[vector<16xi32>, vector<16xi32>, vector<16xi32>], vector<16xf32>,
        tpu.vector_store_idx %arg7[%add3A_39, %add3A_464, %broadcast_in_dim3A_460], %get3A_472 : memref<4x64x129xf32, #tpu.memory_space<vmem>>[vector<16xi32>, vector<16xi32>, vector<16xi32>], vector<16xf32>,
        %mul3A_473 = arith.constant 8 : i32
        %mul3A_474 = arith.muli %scan3A_327, %mul3A_473 : i32
        %add3A_475 = arith.constant 7 : i32
        %add3A_476 = arith.addi %mul3A_474, %add3A_475 : i32
        %shift_right_arithmetic3A_477 = arith.constant 7 : i32
        %shift_right_arithmetic3A_478 = arith.shrsi %add3A_476, %shift_right_arithmetic3A_477 : i32
        %and3A_479 = arith.constant 127 : i32
        %and3A_480 = arith.andi %add3A_476, %and3A_479 : i32
        %broadcast_in_dim3A_481 = vector.broadcast %and3A_480 : i32 to vector<16xi32>
        %mul3A_482 = arith.constant 8 : i32
        %mul3A_483 = arith.muli %shift_right_arithmetic3A_478, %mul3A_482 : i32
        %broadcast_in_dim3A_484 = vector.broadcast %mul3A_483 : i32 to vector<16xi32>
        %add3A_485 = arith.addi %broadcast_in_dim3A_484, %and3A_42 : vector<16xi32>
        %get3A_486 = arith.index_cast %rem3A_207 : i32 to index
        %get3A_487 = arith.index_cast %add3A_476 : i32 to index
        %get3A_488 = arith.constant 0 : index
        %get3A_489 = tpu.vector_load %arg6[%get3A_486, %get3A_487, %get3A_488] {strides = array<i32>} : memref<2x1024x32xf32, #tpu.memory_space<vmem>>, vector<16xf32>,
        %get3A_490 = arith.index_cast %rem3A_207 : i32 to index
        %get3A_491 = arith.index_cast %add3A_476 : i32 to index
        %get3A_492 = arith.constant 16 : index
        %get3A_493 = tpu.vector_load %arg6[%get3A_490, %get3A_491, %get3A_492] {strides = array<i32>} : memref<2x1024x32xf32, #tpu.memory_space<vmem>>, vector<16xf32>,
        tpu.vector_store_idx %arg7[%shift_right_arithmetic3A_36, %add3A_485, %broadcast_in_dim3A_481], %get3A_489 : memref<4x64x129xf32, #tpu.memory_space<vmem>>[vector<16xi32>, vector<16xi32>, vector<16xi32>], vector<16xf32>,
        tpu.vector_store_idx %arg7[%add3A_39, %add3A_485, %broadcast_in_dim3A_481], %get3A_493 : memref<4x64x129xf32, #tpu.memory_space<vmem>>[vector<16xi32>, vector<16xi32>, vector<16xi32>], vector<16xf32>,
      }
      %scan3A_250 = arith.constant 128 : i32
      %add3A_251 = arith.addi %mul3A_32, %scan3A_205 : i32
      %mul3A_252 = arith.constant 64 : i32
      %mul3A_253 = arith.muli %mul3A_252, %select_n3A : i32
      %add3A_254 = arith.addi %mul3A_32, %scan3A_205 : i32
      %mul3A_255 = arith.constant 64 : i32
      %mul3A_256 = arith.muli %mul3A_255, %select_n3A : i32
      %add3A_257 = arith.addi %mul3A_32, %scan3A_205 : i32
      %mul3A_258 = arith.constant 64 : i32
      %mul3A_259 = arith.muli %mul3A_258, %select_n3A : i32
      %add3A_260 = arith.addi %mul3A_32, %scan3A_205 : i32
      %mul3A_261 = arith.constant 64 : i32
      %mul3A_262 = arith.muli %mul3A_261, %select_n3A : i32
      %dma_start3A_263 = arith.constant 0 : i32
      %dma_start3A_264 = arith.constant 0 : i32
      %dma_start3A_265 = arith.constant 0 : i32
      %dma_start3A_266 = arith.constant 0 : i32
      %dma_start3A_267 = tpu.memref_slice %arg7[%dma_start3A_263, %dma_start3A_265, %dma_start3A_266] : memref<4x64x129xf32, #tpu.memory_space<vmem>> -> memref<1x64x128xf32, #tpu.memory_space<vmem>>
      %dma_start3A_268 = tpu.memref_squeeze %dma_start3A_267 : memref<1x64x128xf32, #tpu.memory_space<vmem>> -> memref<64x128xf32, #tpu.memory_space<vmem>>
      %dma_start3A_269 = arith.constant 0 : i32
      %dma_start3A_270 = tpu.memref_slice %arg4[%add3A_251, %dma_start3A_264, %mul3A_253, %dma_start3A_269] : memref<200x4x256x128xf32, #tpu.memory_space<hbm>> -> memref<1x1x64x128xf32, #tpu.memory_space<hbm>>
      %dma_start3A_271 = tpu.memref_squeeze %dma_start3A_270 : memref<1x1x64x128xf32, #tpu.memory_space<hbm>> -> memref<64x128xf32, #tpu.memory_space<hbm>>
      %dma_start3A_272 = arith.constant 0 : i32
      %dma_start3A_273 = tpu.memref_slice %arg4[%add3A_251, %dma_start3A_264, %mul3A_253, %dma_start3A_272] : memref<200x4x256x128xf32, #tpu.memory_space<hbm>> -> memref<1x1x64x128xf32, #tpu.memory_space<hbm>>
      %dma_start3A_274 = tpu.memref_squeeze %dma_start3A_273 : memref<1x1x64x128xf32, #tpu.memory_space<hbm>> -> memref<64x128xf32, #tpu.memory_space<hbm>>
      %dma_start3A_275 = arith.constant 0 : i32
      %dma_start3A_276 = arith.constant 0 : i32
      %dma_start3A_277 = tpu.memref_slice %arg7[%dma_start3A_263, %dma_start3A_275, %dma_start3A_276] : memref<4x64x129xf32, #tpu.memory_space<vmem>> -> memref<1x64x128xf32, #tpu.memory_space<vmem>>
      %dma_start3A_278 = tpu.memref_squeeze %dma_start3A_277 : memref<1x64x128xf32, #tpu.memory_space<vmem>> -> memref<64x128xf32, #tpu.memory_space<vmem>>
      tpu.enqueue_dma source(%dma_start3A_278 : memref<64x128xf32, #tpu.memory_space<vmem>>) target(%dma_start3A_274 : memref<64x128xf32, #tpu.memory_space<hbm>>) target_semaphore(%arg10 : memref<!tpu.dma_semaphore, #tpu.memory_space<semaphore_mem>>)
      %dma_start3A_279 = arith.constant 1 : i32
      %dma_start3A_280 = arith.constant 1 : i32
      %dma_start3A_281 = arith.constant 0 : i32
      %dma_start3A_282 = arith.constant 0 : i32
      %dma_start3A_283 = tpu.memref_slice %arg7[%dma_start3A_279, %dma_start3A_281, %dma_start3A_282] : memref<4x64x129xf32, #tpu.memory_space<vmem>> -> memref<1x64x128xf32, #tpu.memory_space<vmem>>
      %dma_start3A_284 = tpu.memref_squeeze %dma_start3A_283 : memref<1x64x128xf32, #tpu.memory_space<vmem>> -> memref<64x128xf32, #tpu.memory_space<vmem>>
      %dma_start3A_285 = arith.constant 0 : i32
      %dma_start3A_286 = tpu.memref_slice %arg4[%add3A_254, %dma_start3A_280, %mul3A_256, %dma_start3A_285] : memref<200x4x256x128xf32, #tpu.memory_space<hbm>> -> memref<1x1x64x128xf32, #tpu.memory_space<hbm>>
      %dma_start3A_287 = tpu.memref_squeeze %dma_start3A_286 : memref<1x1x64x128xf32, #tpu.memory_space<hbm>> -> memref<64x128xf32, #tpu.memory_space<hbm>>
      %dma_start3A_288 = arith.constant 0 : i32
      %dma_start3A_289 = tpu.memref_slice %arg4[%add3A_254, %dma_start3A_280, %mul3A_256, %dma_start3A_288] : memref<200x4x256x128xf32, #tpu.memory_space<hbm>> -> memref<1x1x64x128xf32, #tpu.memory_space<hbm>>
      %dma_start3A_290 = tpu.memref_squeeze %dma_start3A_289 : memref<1x1x64x128xf32, #tpu.memory_space<hbm>> -> memref<64x128xf32, #tpu.memory_space<hbm>>
      %dma_start3A_291 = arith.constant 0 : i32
      %dma_start3A_292 = arith.constant 0 : i32
      %dma_start3A_293 = tpu.memref_slice %arg7[%dma_start3A_279, %dma_start3A_291, %dma_start3A_292] : memref<4x64x129xf32, #tpu.memory_space<vmem>> -> memref<1x64x128xf32, #tpu.memory_space<vmem>>
      %dma_start3A_294 = tpu.memref_squeeze %dma_start3A_293 : memref<1x64x128xf32, #tpu.memory_space<vmem>> -> memref<64x128xf32, #tpu.memory_space<vmem>>
      tpu.enqueue_dma source(%dma_start3A_294 : memref<64x128xf32, #tpu.memory_space<vmem>>) target(%dma_start3A_290 : memref<64x128xf32, #tpu.memory_space<hbm>>) target_semaphore(%arg10 : memref<!tpu.dma_semaphore, #tpu.memory_space<semaphore_mem>>)
      %dma_start3A_295 = arith.constant 2 : i32
      %dma_start3A_296 = arith.constant 2 : i32
      %dma_start3A_297 = arith.constant 0 : i32
      %dma_start3A_298 = arith.constant 0 : i32
      %dma_start3A_299 = tpu.memref_slice %arg7[%dma_start3A_295, %dma_start3A_297, %dma_start3A_298] : memref<4x64x129xf32, #tpu.memory_space<vmem>> -> memref<1x64x128xf32, #tpu.memory_space<vmem>>
      %dma_start3A_300 = tpu.memref_squeeze %dma_start3A_299 : memref<1x64x128xf32, #tpu.memory_space<vmem>> -> memref<64x128xf32, #tpu.memory_space<vmem>>
      %dma_start3A_301 = arith.constant 0 : i32
      %dma_start3A_302 = tpu.memref_slice %arg4[%add3A_257, %dma_start3A_296, %mul3A_259, %dma_start3A_301] : memref<200x4x256x128xf32, #tpu.memory_space<hbm>> -> memref<1x1x64x128xf32, #tpu.memory_space<hbm>>
      %dma_start3A_303 = tpu.memref_squeeze %dma_start3A_302 : memref<1x1x64x128xf32, #tpu.memory_space<hbm>> -> memref<64x128xf32, #tpu.memory_space<hbm>>
      %dma_start3A_304 = arith.constant 0 : i32
      %dma_start3A_305 = tpu.memref_slice %arg4[%add3A_257, %dma_start3A_296, %mul3A_259, %dma_start3A_304] : memref<200x4x256x128xf32, #tpu.memory_space<hbm>> -> memref<1x1x64x128xf32, #tpu.memory_space<hbm>>
      %dma_start3A_306 = tpu.memref_squeeze %dma_start3A_305 : memref<1x1x64x128xf32, #tpu.memory_space<hbm>> -> memref<64x128xf32, #tpu.memory_space<hbm>>
      %dma_start3A_307 = arith.constant 0 : i32
      %dma_start3A_308 = arith.constant 0 : i32
      %dma_start3A_309 = tpu.memref_slice %arg7[%dma_start3A_295, %dma_start3A_307, %dma_start3A_308] : memref<4x64x129xf32, #tpu.memory_space<vmem>> -> memref<1x64x128xf32, #tpu.memory_space<vmem>>
      %dma_start3A_310 = tpu.memref_squeeze %dma_start3A_309 : memref<1x64x128xf32, #tpu.memory_space<vmem>> -> memref<64x128xf32, #tpu.memory_space<vmem>>
      tpu.enqueue_dma source(%dma_start3A_310 : memref<64x128xf32, #tpu.memory_space<vmem>>) target(%dma_start3A_306 : memref<64x128xf32, #tpu.memory_space<hbm>>) target_semaphore(%arg10 : memref<!tpu.dma_semaphore, #tpu.memory_space<semaphore_mem>>)
      %dma_start3A_311 = arith.constant 3 : i32
      %dma_start3A_312 = arith.constant 3 : i32
      %dma_start3A_313 = arith.constant 0 : i32
      %dma_start3A_314 = arith.constant 0 : i32
      %dma_start3A_315 = tpu.memref_slice %arg7[%dma_start3A_311, %dma_start3A_313, %dma_start3A_314] : memref<4x64x129xf32, #tpu.memory_space<vmem>> -> memref<1x64x128xf32, #tpu.memory_space<vmem>>
      %dma_start3A_316 = tpu.memref_squeeze %dma_start3A_315 : memref<1x64x128xf32, #tpu.memory_space<vmem>> -> memref<64x128xf32, #tpu.memory_space<vmem>>
      %dma_start3A_317 = arith.constant 0 : i32
      %dma_start3A_318 = tpu.memref_slice %arg4[%add3A_260, %dma_start3A_312, %mul3A_262, %dma_start3A_317] : memref<200x4x256x128xf32, #tpu.memory_space<hbm>> -> memref<1x1x64x128xf32, #tpu.memory_space<hbm>>
      %dma_start3A_319 = tpu.memref_squeeze %dma_start3A_318 : memref<1x1x64x128xf32, #tpu.memory_space<hbm>> -> memref<64x128xf32, #tpu.memory_space<hbm>>
      %dma_start3A_320 = arith.constant 0 : i32
      %dma_start3A_321 = tpu.memref_slice %arg4[%add3A_260, %dma_start3A_312, %mul3A_262, %dma_start3A_320] : memref<200x4x256x128xf32, #tpu.memory_space<hbm>> -> memref<1x1x64x128xf32, #tpu.memory_space<hbm>>
      %dma_start3A_322 = tpu.memref_squeeze %dma_start3A_321 : memref<1x1x64x128xf32, #tpu.memory_space<hbm>> -> memref<64x128xf32, #tpu.memory_space<hbm>>
      %dma_start3A_323 = arith.constant 0 : i32
      %dma_start3A_324 = arith.constant 0 : i32
      %dma_start3A_325 = tpu.memref_slice %arg7[%dma_start3A_311, %dma_start3A_323, %dma_start3A_324] : memref<4x64x129xf32, #tpu.memory_space<vmem>> -> memref<1x64x128xf32, #tpu.memory_space<vmem>>
      %dma_start3A_326 = tpu.memref_squeeze %dma_start3A_325 : memref<1x64x128xf32, #tpu.memory_space<vmem>> -> memref<64x128xf32, #tpu.memory_space<vmem>>
      tpu.enqueue_dma source(%dma_start3A_326 : memref<64x128xf32, #tpu.memory_space<vmem>>) target(%dma_start3A_322 : memref<64x128xf32, #tpu.memory_space<hbm>>) target_semaphore(%arg10 : memref<!tpu.dma_semaphore, #tpu.memory_space<semaphore_mem>>)
    }
    %scan3A_124 = arith.constant 25 : i32
    %add3A_125 = arith.constant 24 : i32
    %add3A_126 = arith.addi %mul3A_32, %add3A_125 : i32
    %mul3A_127 = arith.constant 64 : i32
    %mul3A_128 = arith.muli %mul3A_127, %select_n3A : i32
    %add3A_129 = arith.constant 24 : i32
    %add3A_130 = arith.addi %mul3A_32, %add3A_129 : i32
    %mul3A_131 = arith.constant 64 : i32
    %mul3A_132 = arith.muli %mul3A_131, %select_n3A : i32
    %add3A_133 = arith.constant 24 : i32
    %add3A_134 = arith.addi %mul3A_32, %add3A_133 : i32
    %mul3A_135 = arith.constant 64 : i32
    %mul3A_136 = arith.muli %mul3A_135, %select_n3A : i32
    %add3A_137 = arith.constant 24 : i32
    %add3A_138 = arith.addi %mul3A_32, %add3A_137 : i32
    %mul3A_139 = arith.constant 64 : i32
    %mul3A_140 = arith.muli %mul3A_139, %select_n3A : i32
    %dma_wait3A_141 = arith.constant 0 : i32
    %dma_wait3A_142 = arith.constant 0 : i32
    %dma_wait3A_143 = arith.constant 0 : i32
    %dma_wait3A_144 = arith.constant 0 : i32
    %dma_wait3A_145 = tpu.memref_slice %arg7[%dma_wait3A_141, %dma_wait3A_143, %dma_wait3A_144] : memref<4x64x129xf32, #tpu.memory_space<vmem>> -> memref<1x64x128xf32, #tpu.memory_space<vmem>>
    %dma_wait3A_146 = tpu.memref_squeeze %dma_wait3A_145 : memref<1x64x128xf32, #tpu.memory_space<vmem>> -> memref<64x128xf32, #tpu.memory_space<vmem>>
    %dma_wait3A_147 = arith.constant 0 : i32
    %dma_wait3A_148 = tpu.memref_slice %arg4[%add3A_126, %dma_wait3A_142, %mul3A_128, %dma_wait3A_147] : memref<200x4x256x128xf32, #tpu.memory_space<hbm>> -> memref<1x1x64x128xf32, #tpu.memory_space<hbm>>
    %dma_wait3A_149 = tpu.memref_squeeze %dma_wait3A_148 : memref<1x1x64x128xf32, #tpu.memory_space<hbm>> -> memref<64x128xf32, #tpu.memory_space<hbm>>
    %dma_wait3A_150 = arith.constant 0 : i32
    %dma_wait3A_151 = tpu.memref_slice %arg4[%add3A_126, %dma_wait3A_142, %mul3A_128, %dma_wait3A_150] : memref<200x4x256x128xf32, #tpu.memory_space<hbm>> -> memref<1x1x64x128xf32, #tpu.memory_space<hbm>>
    %dma_wait3A_152 = tpu.memref_squeeze %dma_wait3A_151 : memref<1x1x64x128xf32, #tpu.memory_space<hbm>> -> memref<64x128xf32, #tpu.memory_space<hbm>>
    %dma_wait3A_153 = arith.constant 0 : i32
    %dma_wait3A_154 = arith.constant 0 : i32
    %dma_wait3A_155 = tpu.memref_slice %arg7[%dma_wait3A_141, %dma_wait3A_153, %dma_wait3A_154] : memref<4x64x129xf32, #tpu.memory_space<vmem>> -> memref<1x64x128xf32, #tpu.memory_space<vmem>>
    %dma_wait3A_156 = tpu.memref_squeeze %dma_wait3A_155 : memref<1x64x128xf32, #tpu.memory_space<vmem>> -> memref<64x128xf32, #tpu.memory_space<vmem>>
    tpu.wait_dma2 semaphore(%arg10 : memref<!tpu.dma_semaphore, #tpu.memory_space<semaphore_mem>>) src(%dma_wait3A_156 : memref<64x128xf32, #tpu.memory_space<vmem>>) dst(%dma_wait3A_152 : memref<64x128xf32, #tpu.memory_space<hbm>>)
    %dma_wait3A_157 = arith.constant 1 : i32
    %dma_wait3A_158 = arith.constant 1 : i32
    %dma_wait3A_159 = arith.constant 0 : i32
    %dma_wait3A_160 = arith.constant 0 : i32
    %dma_wait3A_161 = tpu.memref_slice %arg7[%dma_wait3A_157, %dma_wait3A_159, %dma_wait3A_160] : memref<4x64x129xf32, #tpu.memory_space<vmem>> -> memref<1x64x128xf32, #tpu.memory_space<vmem>>
    %dma_wait3A_162 = tpu.memref_squeeze %dma_wait3A_161 : memref<1x64x128xf32, #tpu.memory_space<vmem>> -> memref<64x128xf32, #tpu.memory_space<vmem>>
    %dma_wait3A_163 = arith.constant 0 : i32
    %dma_wait3A_164 = tpu.memref_slice %arg4[%add3A_130, %dma_wait3A_158, %mul3A_132, %dma_wait3A_163] : memref<200x4x256x128xf32, #tpu.memory_space<hbm>> -> memref<1x1x64x128xf32, #tpu.memory_space<hbm>>
    %dma_wait3A_165 = tpu.memref_squeeze %dma_wait3A_164 : memref<1x1x64x128xf32, #tpu.memory_space<hbm>> -> memref<64x128xf32, #tpu.memory_space<hbm>>
    %dma_wait3A_166 = arith.constant 0 : i32
    %dma_wait3A_167 = tpu.memref_slice %arg4[%add3A_130, %dma_wait3A_158, %mul3A_132, %dma_wait3A_166] : memref<200x4x256x128xf32, #tpu.memory_space<hbm>> -> memref<1x1x64x128xf32, #tpu.memory_space<hbm>>
    %dma_wait3A_168 = tpu.memref_squeeze %dma_wait3A_167 : memref<1x1x64x128xf32, #tpu.memory_space<hbm>> -> memref<64x128xf32, #tpu.memory_space<hbm>>
    %dma_wait3A_169 = arith.constant 0 : i32
    %dma_wait3A_170 = arith.constant 0 : i32
    %dma_wait3A_171 = tpu.memref_slice %arg7[%dma_wait3A_157, %dma_wait3A_169, %dma_wait3A_170] : memref<4x64x129xf32, #tpu.memory_space<vmem>> -> memref<1x64x128xf32, #tpu.memory_space<vmem>>
    %dma_wait3A_172 = tpu.memref_squeeze %dma_wait3A_171 : memref<1x64x128xf32, #tpu.memory_space<vmem>> -> memref<64x128xf32, #tpu.memory_space<vmem>>
    tpu.wait_dma2 semaphore(%arg10 : memref<!tpu.dma_semaphore, #tpu.memory_space<semaphore_mem>>) src(%dma_wait3A_172 : memref<64x128xf32, #tpu.memory_space<vmem>>) dst(%dma_wait3A_168 : memref<64x128xf32, #tpu.memory_space<hbm>>)
    %dma_wait3A_173 = arith.constant 2 : i32
    %dma_wait3A_174 = arith.constant 2 : i32
    %dma_wait3A_175 = arith.constant 0 : i32
    %dma_wait3A_176 = arith.constant 0 : i32
    %dma_wait3A_177 = tpu.memref_slice %arg7[%dma_wait3A_173, %dma_wait3A_175, %dma_wait3A_176] : memref<4x64x129xf32, #tpu.memory_space<vmem>> -> memref<1x64x128xf32, #tpu.memory_space<vmem>>
    %dma_wait3A_178 = tpu.memref_squeeze %dma_wait3A_177 : memref<1x64x128xf32, #tpu.memory_space<vmem>> -> memref<64x128xf32, #tpu.memory_space<vmem>>
    %dma_wait3A_179 = arith.constant 0 : i32
    %dma_wait3A_180 = tpu.memref_slice %arg4[%add3A_134, %dma_wait3A_174, %mul3A_136, %dma_wait3A_179] : memref<200x4x256x128xf32, #tpu.memory_space<hbm>> -> memref<1x1x64x128xf32, #tpu.memory_space<hbm>>
    %dma_wait3A_181 = tpu.memref_squeeze %dma_wait3A_180 : memref<1x1x64x128xf32, #tpu.memory_space<hbm>> -> memref<64x128xf32, #tpu.memory_space<hbm>>
    %dma_wait3A_182 = arith.constant 0 : i32
    %dma_wait3A_183 = tpu.memref_slice %arg4[%add3A_134, %dma_wait3A_174, %mul3A_136, %dma_wait3A_182] : memref<200x4x256x128xf32, #tpu.memory_space<hbm>> -> memref<1x1x64x128xf32, #tpu.memory_space<hbm>>
    %dma_wait3A_184 = tpu.memref_squeeze %dma_wait3A_183 : memref<1x1x64x128xf32, #tpu.memory_space<hbm>> -> memref<64x128xf32, #tpu.memory_space<hbm>>
    %dma_wait3A_185 = arith.constant 0 : i32
    %dma_wait3A_186 = arith.constant 0 : i32
    %dma_wait3A_187 = tpu.memref_slice %arg7[%dma_wait3A_173, %dma_wait3A_185, %dma_wait3A_186] : memref<4x64x129xf32, #tpu.memory_space<vmem>> -> memref<1x64x128xf32, #tpu.memory_space<vmem>>
    %dma_wait3A_188 = tpu.memref_squeeze %dma_wait3A_187 : memref<1x64x128xf32, #tpu.memory_space<vmem>> -> memref<64x128xf32, #tpu.memory_space<vmem>>
    tpu.wait_dma2 semaphore(%arg10 : memref<!tpu.dma_semaphore, #tpu.memory_space<semaphore_mem>>) src(%dma_wait3A_188 : memref<64x128xf32, #tpu.memory_space<vmem>>) dst(%dma_wait3A_184 : memref<64x128xf32, #tpu.memory_space<hbm>>)
    %dma_wait3A_189 = arith.constant 3 : i32
    %dma_wait3A_190 = arith.constant 3 : i32
    %dma_wait3A_191 = arith.constant 0 : i32
    %dma_wait3A_192 = arith.constant 0 : i32
    %dma_wait3A_193 = tpu.memref_slice %arg7[%dma_wait3A_189, %dma_wait3A_191, %dma_wait3A_192] : memref<4x64x129xf32, #tpu.memory_space<vmem>> -> memref<1x64x128xf32, #tpu.memory_space<vmem>>
    %dma_wait3A_194 = tpu.memref_squeeze %dma_wait3A_193 : memref<1x64x128xf32, #tpu.memory_space<vmem>> -> memref<64x128xf32, #tpu.memory_space<vmem>>
    %dma_wait3A_195 = arith.constant 0 : i32
    %dma_wait3A_196 = tpu.memref_slice %arg4[%add3A_138, %dma_wait3A_190, %mul3A_140, %dma_wait3A_195] : memref<200x4x256x128xf32, #tpu.memory_space<hbm>> -> memref<1x1x64x128xf32, #tpu.memory_space<hbm>>
    %dma_wait3A_197 = tpu.memref_squeeze %dma_wait3A_196 : memref<1x1x64x128xf32, #tpu.memory_space<hbm>> -> memref<64x128xf32, #tpu.memory_space<hbm>>
    %dma_wait3A_198 = arith.constant 0 : i32
    %dma_wait3A_199 = tpu.memref_slice %arg4[%add3A_138, %dma_wait3A_190, %mul3A_140, %dma_wait3A_198] : memref<200x4x256x128xf32, #tpu.memory_space<hbm>> -> memref<1x1x64x128xf32, #tpu.memory_space<hbm>>
    %dma_wait3A_200 = tpu.memref_squeeze %dma_wait3A_199 : memref<1x1x64x128xf32, #tpu.memory_space<hbm>> -> memref<64x128xf32, #tpu.memory_space<hbm>>
    %dma_wait3A_201 = arith.constant 0 : i32
    %dma_wait3A_202 = arith.constant 0 : i32
    %dma_wait3A_203 = tpu.memref_slice %arg7[%dma_wait3A_189, %dma_wait3A_201, %dma_wait3A_202] : memref<4x64x129xf32, #tpu.memory_space<vmem>> -> memref<1x64x128xf32, #tpu.memory_space<vmem>>
    %dma_wait3A_204 = tpu.memref_squeeze %dma_wait3A_203 : memref<1x64x128xf32, #tpu.memory_space<vmem>> -> memref<64x128xf32, #tpu.memory_space<vmem>>
    tpu.wait_dma2 semaphore(%arg10 : memref<!tpu.dma_semaphore, #tpu.memory_space<semaphore_mem>>) src(%dma_wait3A_204 : memref<64x128xf32, #tpu.memory_space<vmem>>) dst(%dma_wait3A_200 : memref<64x128xf32, #tpu.memory_space<hbm>>)
    return
  }
}

module attributes {stable_mosaic.version = 14 : i64} {
  func.func @tile_kernel(%arg0: i32, %arg1: memref<2x1x512xf32, #tpu.memory_space<vmem>>, %arg2: memref<2x512x512xf32, #tpu.memory_space<vmem>>) attributes {dimension_semantics = [#tpu.dimension_semantics<arbitrary>], iteration_bounds = array<i64: 8>, scalar_prefetch = 0 : i64, scratch_operands = 0 : i64, tpu.core_type = #tpu.core_type<tc>, window_params = [{pipeline_mode = #tpu.pipeline_mode<synchronous>, transform_indices = @transform_0, window_bounds = array<i64: 2, 1, 512>}, {transform_indices = @transform_1, window_bounds = array<i64: 2, 512, 512>}]} {
    %get3A = arith.constant 0 : index
    %get3A_0 = arith.constant 0 : index
    %get3A_1 = arith.constant 0 : index
    %get3A_2 = vector.load %arg1[%get3A, %get3A_0, %get3A_1] : memref<2x1x512xf32, #tpu.memory_space<vmem>>, vector<2x1x512xf32>
    %broadcast_in_dim3A = vector.shape_cast %get3A_2 : vector<2x1x512xf32> to vector<2x1x512xf32>
    %broadcast_in_dim3A_3 = vector.broadcast %broadcast_in_dim3A : vector<2x1x512xf32> to vector<2x512x512xf32>
    %swap3A = arith.constant 0 : index
    %swap3A_4 = arith.constant 0 : index
    %swap3A_5 = arith.constant 0 : index
    %swap3A_6 = vector.load %arg2[%swap3A, %swap3A_4, %swap3A_5] : memref<2x512x512xf32, #tpu.memory_space<vmem>>, vector<2x512x512xf32>
    tpu.vector_store %arg2[%swap3A, %swap3A_4, %swap3A_5], %broadcast_in_dim3A_3 {strides = array<i32>} : memref<2x512x512xf32, #tpu.memory_space<vmem>>, vector<2x512x512xf32>,
    return
  }
  func.func @transform_0(%arg0: i32) -> (i32, i32, i32) {
    %c0_i32 = arith.constant 0 : i32
    %c0_i32_0 = arith.constant 0 : i32
    %c0_i32_1 = arith.constant 0 : i32
    %c0_i32_2 = arith.constant 0 : i32
    return %c0_i32, %c0_i32_0, %c0_i32_1 : i32, i32, i32
  }
  func.func @transform_1(%arg0: i32) -> (i32, i32, i32) {
    %c0_i32 = arith.constant 0 : i32
    %c0_i32_0 = arith.constant 0 : i32
    %c0_i32_1 = arith.constant 0 : i32
    return %c0_i32, %arg0, %c0_i32_0 : i32, i32, i32
  }
}

module attributes {stable_mosaic.version = 14 : i64} {
  func.func @pack_kernel(%arg0: i32, %arg1: memref<32x8192xf32, #tpu.memory_space<vmem>>, %arg2: memref<2048x128xf32, #tpu.memory_space<vmem>>) attributes {dimension_semantics = [#tpu.dimension_semantics<arbitrary>], iteration_bounds = array<i64: 123>, scalar_prefetch = 0 : i64, scratch_operands = 0 : i64, tpu.core_type = #tpu.core_type<tc>, window_params = [{transform_indices = @transform_0, window_bounds = array<i64: 32, 8192>}, {transform_indices = @transform_1, window_bounds = array<i64: 2048, 128>}]} {
    %get3A = arith.constant 0 : index
    %get3A_0 = arith.constant 0 : index
    %get3A_1 = vector.load %arg1[%get3A, %get3A_0] : memref<32x8192xf32, #tpu.memory_space<vmem>>, vector<32x8192xf32>
    %slice3A = vector.extract_strided_slice %get3A_1 {offsets = [0, 0], sizes = [32, 512], strides = [1, 1]} : vector<32x8192xf32> to vector<32x512xf32>
    %slice3A_2 = vector.extract_strided_slice %slice3A {offsets = [0, 0], sizes = [32, 128], strides = [1, 1]} : vector<32x512xf32> to vector<32x128xf32>
    %slice3A_3 = vector.extract_strided_slice %slice3A {offsets = [0, 128], sizes = [32, 128], strides = [1, 1]} : vector<32x512xf32> to vector<32x128xf32>
    %slice3A_4 = vector.extract_strided_slice %slice3A {offsets = [0, 256], sizes = [32, 128], strides = [1, 1]} : vector<32x512xf32> to vector<32x128xf32>
    %slice3A_5 = vector.extract_strided_slice %slice3A {offsets = [0, 384], sizes = [32, 128], strides = [1, 1]} : vector<32x512xf32> to vector<32x128xf32>
    %concatenate3A = tpu.concatenate %slice3A_2, %slice3A_3, %slice3A_4, %slice3A_5 in 0 : vector<32x128xf32>, vector<32x128xf32>, vector<32x128xf32>, vector<32x128xf32> -> vector<128x128xf32>
    %transpose3A = tpu.transpose %concatenate3A, [1, 0] : vector<128x128xf32> -> vector<128x128xf32>
    %swap3A = arith.constant 0 : index
    %swap3A_6 = arith.constant 0 : index
    %swap3A_7 = vector.load %arg2[%swap3A, %swap3A_6] : memref<2048x128xf32, #tpu.memory_space<vmem>>, vector<128x128xf32>
    tpu.vector_store %arg2[%swap3A, %swap3A_6], %transpose3A {strides = array<i32>} : memref<2048x128xf32, #tpu.memory_space<vmem>>, vector<128x128xf32>,
    %slice3A_8 = vector.extract_strided_slice %get3A_1 {offsets = [0, 512], sizes = [32, 512], strides = [1, 1]} : vector<32x8192xf32> to vector<32x512xf32>
    %slice3A_9 = vector.extract_strided_slice %slice3A_8 {offsets = [0, 0], sizes = [32, 128], strides = [1, 1]} : vector<32x512xf32> to vector<32x128xf32>
    %slice3A_10 = vector.extract_strided_slice %slice3A_8 {offsets = [0, 128], sizes = [32, 128], strides = [1, 1]} : vector<32x512xf32> to vector<32x128xf32>
    %slice3A_11 = vector.extract_strided_slice %slice3A_8 {offsets = [0, 256], sizes = [32, 128], strides = [1, 1]} : vector<32x512xf32> to vector<32x128xf32>
    %slice3A_12 = vector.extract_strided_slice %slice3A_8 {offsets = [0, 384], sizes = [32, 128], strides = [1, 1]} : vector<32x512xf32> to vector<32x128xf32>
    %concatenate3A_13 = tpu.concatenate %slice3A_9, %slice3A_10, %slice3A_11, %slice3A_12 in 0 : vector<32x128xf32>, vector<32x128xf32>, vector<32x128xf32>, vector<32x128xf32> -> vector<128x128xf32>
    %transpose3A_14 = tpu.transpose %concatenate3A_13, [1, 0] : vector<128x128xf32> -> vector<128x128xf32>
    %swap3A_15 = arith.constant 128 : index
    %swap3A_16 = arith.constant 0 : index
    %swap3A_17 = vector.load %arg2[%swap3A_15, %swap3A_16] : memref<2048x128xf32, #tpu.memory_space<vmem>>, vector<128x128xf32>
    tpu.vector_store %arg2[%swap3A_15, %swap3A_16], %transpose3A_14 {strides = array<i32>} : memref<2048x128xf32, #tpu.memory_space<vmem>>, vector<128x128xf32>,
    %slice3A_18 = vector.extract_strided_slice %get3A_1 {offsets = [0, 1024], sizes = [32, 512], strides = [1, 1]} : vector<32x8192xf32> to vector<32x512xf32>
    %slice3A_19 = vector.extract_strided_slice %slice3A_18 {offsets = [0, 0], sizes = [32, 128], strides = [1, 1]} : vector<32x512xf32> to vector<32x128xf32>
    %slice3A_20 = vector.extract_strided_slice %slice3A_18 {offsets = [0, 128], sizes = [32, 128], strides = [1, 1]} : vector<32x512xf32> to vector<32x128xf32>
    %slice3A_21 = vector.extract_strided_slice %slice3A_18 {offsets = [0, 256], sizes = [32, 128], strides = [1, 1]} : vector<32x512xf32> to vector<32x128xf32>
    %slice3A_22 = vector.extract_strided_slice %slice3A_18 {offsets = [0, 384], sizes = [32, 128], strides = [1, 1]} : vector<32x512xf32> to vector<32x128xf32>
    %concatenate3A_23 = tpu.concatenate %slice3A_19, %slice3A_20, %slice3A_21, %slice3A_22 in 0 : vector<32x128xf32>, vector<32x128xf32>, vector<32x128xf32>, vector<32x128xf32> -> vector<128x128xf32>
    %transpose3A_24 = tpu.transpose %concatenate3A_23, [1, 0] : vector<128x128xf32> -> vector<128x128xf32>
    %swap3A_25 = arith.constant 256 : index
    %swap3A_26 = arith.constant 0 : index
    %swap3A_27 = vector.load %arg2[%swap3A_25, %swap3A_26] : memref<2048x128xf32, #tpu.memory_space<vmem>>, vector<128x128xf32>
    tpu.vector_store %arg2[%swap3A_25, %swap3A_26], %transpose3A_24 {strides = array<i32>} : memref<2048x128xf32, #tpu.memory_space<vmem>>, vector<128x128xf32>,
    %slice3A_28 = vector.extract_strided_slice %get3A_1 {offsets = [0, 1536], sizes = [32, 512], strides = [1, 1]} : vector<32x8192xf32> to vector<32x512xf32>
    %slice3A_29 = vector.extract_strided_slice %slice3A_28 {offsets = [0, 0], sizes = [32, 128], strides = [1, 1]} : vector<32x512xf32> to vector<32x128xf32>
    %slice3A_30 = vector.extract_strided_slice %slice3A_28 {offsets = [0, 128], sizes = [32, 128], strides = [1, 1]} : vector<32x512xf32> to vector<32x128xf32>
    %slice3A_31 = vector.extract_strided_slice %slice3A_28 {offsets = [0, 256], sizes = [32, 128], strides = [1, 1]} : vector<32x512xf32> to vector<32x128xf32>
    %slice3A_32 = vector.extract_strided_slice %slice3A_28 {offsets = [0, 384], sizes = [32, 128], strides = [1, 1]} : vector<32x512xf32> to vector<32x128xf32>
    %concatenate3A_33 = tpu.concatenate %slice3A_29, %slice3A_30, %slice3A_31, %slice3A_32 in 0 : vector<32x128xf32>, vector<32x128xf32>, vector<32x128xf32>, vector<32x128xf32> -> vector<128x128xf32>
    %transpose3A_34 = tpu.transpose %concatenate3A_33, [1, 0] : vector<128x128xf32> -> vector<128x128xf32>
    %swap3A_35 = arith.constant 384 : index
    %swap3A_36 = arith.constant 0 : index
    %swap3A_37 = vector.load %arg2[%swap3A_35, %swap3A_36] : memref<2048x128xf32, #tpu.memory_space<vmem>>, vector<128x128xf32>
    tpu.vector_store %arg2[%swap3A_35, %swap3A_36], %transpose3A_34 {strides = array<i32>} : memref<2048x128xf32, #tpu.memory_space<vmem>>, vector<128x128xf32>,
    %slice3A_38 = vector.extract_strided_slice %get3A_1 {offsets = [0, 2048], sizes = [32, 512], strides = [1, 1]} : vector<32x8192xf32> to vector<32x512xf32>
    %slice3A_39 = vector.extract_strided_slice %slice3A_38 {offsets = [0, 0], sizes = [32, 128], strides = [1, 1]} : vector<32x512xf32> to vector<32x128xf32>
    %slice3A_40 = vector.extract_strided_slice %slice3A_38 {offsets = [0, 128], sizes = [32, 128], strides = [1, 1]} : vector<32x512xf32> to vector<32x128xf32>
    %slice3A_41 = vector.extract_strided_slice %slice3A_38 {offsets = [0, 256], sizes = [32, 128], strides = [1, 1]} : vector<32x512xf32> to vector<32x128xf32>
    %slice3A_42 = vector.extract_strided_slice %slice3A_38 {offsets = [0, 384], sizes = [32, 128], strides = [1, 1]} : vector<32x512xf32> to vector<32x128xf32>
    %concatenate3A_43 = tpu.concatenate %slice3A_39, %slice3A_40, %slice3A_41, %slice3A_42 in 0 : vector<32x128xf32>, vector<32x128xf32>, vector<32x128xf32>, vector<32x128xf32> -> vector<128x128xf32>
    %transpose3A_44 = tpu.transpose %concatenate3A_43, [1, 0] : vector<128x128xf32> -> vector<128x128xf32>
    %swap3A_45 = arith.constant 512 : index
    %swap3A_46 = arith.constant 0 : index
    %swap3A_47 = vector.load %arg2[%swap3A_45, %swap3A_46] : memref<2048x128xf32, #tpu.memory_space<vmem>>, vector<128x128xf32>
    tpu.vector_store %arg2[%swap3A_45, %swap3A_46], %transpose3A_44 {strides = array<i32>} : memref<2048x128xf32, #tpu.memory_space<vmem>>, vector<128x128xf32>,
    %slice3A_48 = vector.extract_strided_slice %get3A_1 {offsets = [0, 2560], sizes = [32, 512], strides = [1, 1]} : vector<32x8192xf32> to vector<32x512xf32>
    %slice3A_49 = vector.extract_strided_slice %slice3A_48 {offsets = [0, 0], sizes = [32, 128], strides = [1, 1]} : vector<32x512xf32> to vector<32x128xf32>
    %slice3A_50 = vector.extract_strided_slice %slice3A_48 {offsets = [0, 128], sizes = [32, 128], strides = [1, 1]} : vector<32x512xf32> to vector<32x128xf32>
    %slice3A_51 = vector.extract_strided_slice %slice3A_48 {offsets = [0, 256], sizes = [32, 128], strides = [1, 1]} : vector<32x512xf32> to vector<32x128xf32>
    %slice3A_52 = vector.extract_strided_slice %slice3A_48 {offsets = [0, 384], sizes = [32, 128], strides = [1, 1]} : vector<32x512xf32> to vector<32x128xf32>
    %concatenate3A_53 = tpu.concatenate %slice3A_49, %slice3A_50, %slice3A_51, %slice3A_52 in 0 : vector<32x128xf32>, vector<32x128xf32>, vector<32x128xf32>, vector<32x128xf32> -> vector<128x128xf32>
    %transpose3A_54 = tpu.transpose %concatenate3A_53, [1, 0] : vector<128x128xf32> -> vector<128x128xf32>
    %swap3A_55 = arith.constant 640 : index
    %swap3A_56 = arith.constant 0 : index
    %swap3A_57 = vector.load %arg2[%swap3A_55, %swap3A_56] : memref<2048x128xf32, #tpu.memory_space<vmem>>, vector<128x128xf32>
    tpu.vector_store %arg2[%swap3A_55, %swap3A_56], %transpose3A_54 {strides = array<i32>} : memref<2048x128xf32, #tpu.memory_space<vmem>>, vector<128x128xf32>,
    %slice3A_58 = vector.extract_strided_slice %get3A_1 {offsets = [0, 3072], sizes = [32, 512], strides = [1, 1]} : vector<32x8192xf32> to vector<32x512xf32>
    %slice3A_59 = vector.extract_strided_slice %slice3A_58 {offsets = [0, 0], sizes = [32, 128], strides = [1, 1]} : vector<32x512xf32> to vector<32x128xf32>
    %slice3A_60 = vector.extract_strided_slice %slice3A_58 {offsets = [0, 128], sizes = [32, 128], strides = [1, 1]} : vector<32x512xf32> to vector<32x128xf32>
    %slice3A_61 = vector.extract_strided_slice %slice3A_58 {offsets = [0, 256], sizes = [32, 128], strides = [1, 1]} : vector<32x512xf32> to vector<32x128xf32>
    %slice3A_62 = vector.extract_strided_slice %slice3A_58 {offsets = [0, 384], sizes = [32, 128], strides = [1, 1]} : vector<32x512xf32> to vector<32x128xf32>
    %concatenate3A_63 = tpu.concatenate %slice3A_59, %slice3A_60, %slice3A_61, %slice3A_62 in 0 : vector<32x128xf32>, vector<32x128xf32>, vector<32x128xf32>, vector<32x128xf32> -> vector<128x128xf32>
    %transpose3A_64 = tpu.transpose %concatenate3A_63, [1, 0] : vector<128x128xf32> -> vector<128x128xf32>
    %swap3A_65 = arith.constant 768 : index
    %swap3A_66 = arith.constant 0 : index
    %swap3A_67 = vector.load %arg2[%swap3A_65, %swap3A_66] : memref<2048x128xf32, #tpu.memory_space<vmem>>, vector<128x128xf32>
    tpu.vector_store %arg2[%swap3A_65, %swap3A_66], %transpose3A_64 {strides = array<i32>} : memref<2048x128xf32, #tpu.memory_space<vmem>>, vector<128x128xf32>,
    %slice3A_68 = vector.extract_strided_slice %get3A_1 {offsets = [0, 3584], sizes = [32, 512], strides = [1, 1]} : vector<32x8192xf32> to vector<32x512xf32>
    %slice3A_69 = vector.extract_strided_slice %slice3A_68 {offsets = [0, 0], sizes = [32, 128], strides = [1, 1]} : vector<32x512xf32> to vector<32x128xf32>
    %slice3A_70 = vector.extract_strided_slice %slice3A_68 {offsets = [0, 128], sizes = [32, 128], strides = [1, 1]} : vector<32x512xf32> to vector<32x128xf32>
    %slice3A_71 = vector.extract_strided_slice %slice3A_68 {offsets = [0, 256], sizes = [32, 128], strides = [1, 1]} : vector<32x512xf32> to vector<32x128xf32>
    %slice3A_72 = vector.extract_strided_slice %slice3A_68 {offsets = [0, 384], sizes = [32, 128], strides = [1, 1]} : vector<32x512xf32> to vector<32x128xf32>
    %concatenate3A_73 = tpu.concatenate %slice3A_69, %slice3A_70, %slice3A_71, %slice3A_72 in 0 : vector<32x128xf32>, vector<32x128xf32>, vector<32x128xf32>, vector<32x128xf32> -> vector<128x128xf32>
    %transpose3A_74 = tpu.transpose %concatenate3A_73, [1, 0] : vector<128x128xf32> -> vector<128x128xf32>
    %swap3A_75 = arith.constant 896 : index
    %swap3A_76 = arith.constant 0 : index
    %swap3A_77 = vector.load %arg2[%swap3A_75, %swap3A_76] : memref<2048x128xf32, #tpu.memory_space<vmem>>, vector<128x128xf32>
    tpu.vector_store %arg2[%swap3A_75, %swap3A_76], %transpose3A_74 {strides = array<i32>} : memref<2048x128xf32, #tpu.memory_space<vmem>>, vector<128x128xf32>,
    %slice3A_78 = vector.extract_strided_slice %get3A_1 {offsets = [0, 4096], sizes = [32, 512], strides = [1, 1]} : vector<32x8192xf32> to vector<32x512xf32>
    %slice3A_79 = vector.extract_strided_slice %slice3A_78 {offsets = [0, 0], sizes = [32, 128], strides = [1, 1]} : vector<32x512xf32> to vector<32x128xf32>
    %slice3A_80 = vector.extract_strided_slice %slice3A_78 {offsets = [0, 128], sizes = [32, 128], strides = [1, 1]} : vector<32x512xf32> to vector<32x128xf32>
    %slice3A_81 = vector.extract_strided_slice %slice3A_78 {offsets = [0, 256], sizes = [32, 128], strides = [1, 1]} : vector<32x512xf32> to vector<32x128xf32>
    %slice3A_82 = vector.extract_strided_slice %slice3A_78 {offsets = [0, 384], sizes = [32, 128], strides = [1, 1]} : vector<32x512xf32> to vector<32x128xf32>
    %concatenate3A_83 = tpu.concatenate %slice3A_79, %slice3A_80, %slice3A_81, %slice3A_82 in 0 : vector<32x128xf32>, vector<32x128xf32>, vector<32x128xf32>, vector<32x128xf32> -> vector<128x128xf32>
    %transpose3A_84 = tpu.transpose %concatenate3A_83, [1, 0] : vector<128x128xf32> -> vector<128x128xf32>
    %swap3A_85 = arith.constant 1024 : index
    %swap3A_86 = arith.constant 0 : index
    %swap3A_87 = vector.load %arg2[%swap3A_85, %swap3A_86] : memref<2048x128xf32, #tpu.memory_space<vmem>>, vector<128x128xf32>
    tpu.vector_store %arg2[%swap3A_85, %swap3A_86], %transpose3A_84 {strides = array<i32>} : memref<2048x128xf32, #tpu.memory_space<vmem>>, vector<128x128xf32>,
    %slice3A_88 = vector.extract_strided_slice %get3A_1 {offsets = [0, 4608], sizes = [32, 512], strides = [1, 1]} : vector<32x8192xf32> to vector<32x512xf32>
    %slice3A_89 = vector.extract_strided_slice %slice3A_88 {offsets = [0, 0], sizes = [32, 128], strides = [1, 1]} : vector<32x512xf32> to vector<32x128xf32>
    %slice3A_90 = vector.extract_strided_slice %slice3A_88 {offsets = [0, 128], sizes = [32, 128], strides = [1, 1]} : vector<32x512xf32> to vector<32x128xf32>
    %slice3A_91 = vector.extract_strided_slice %slice3A_88 {offsets = [0, 256], sizes = [32, 128], strides = [1, 1]} : vector<32x512xf32> to vector<32x128xf32>
    %slice3A_92 = vector.extract_strided_slice %slice3A_88 {offsets = [0, 384], sizes = [32, 128], strides = [1, 1]} : vector<32x512xf32> to vector<32x128xf32>
    %concatenate3A_93 = tpu.concatenate %slice3A_89, %slice3A_90, %slice3A_91, %slice3A_92 in 0 : vector<32x128xf32>, vector<32x128xf32>, vector<32x128xf32>, vector<32x128xf32> -> vector<128x128xf32>
    %transpose3A_94 = tpu.transpose %concatenate3A_93, [1, 0] : vector<128x128xf32> -> vector<128x128xf32>
    %swap3A_95 = arith.constant 1152 : index
    %swap3A_96 = arith.constant 0 : index
    %swap3A_97 = vector.load %arg2[%swap3A_95, %swap3A_96] : memref<2048x128xf32, #tpu.memory_space<vmem>>, vector<128x128xf32>
    tpu.vector_store %arg2[%swap3A_95, %swap3A_96], %transpose3A_94 {strides = array<i32>} : memref<2048x128xf32, #tpu.memory_space<vmem>>, vector<128x128xf32>,
    %slice3A_98 = vector.extract_strided_slice %get3A_1 {offsets = [0, 5120], sizes = [32, 512], strides = [1, 1]} : vector<32x8192xf32> to vector<32x512xf32>
    %slice3A_99 = vector.extract_strided_slice %slice3A_98 {offsets = [0, 0], sizes = [32, 128], strides = [1, 1]} : vector<32x512xf32> to vector<32x128xf32>
    %slice3A_100 = vector.extract_strided_slice %slice3A_98 {offsets = [0, 128], sizes = [32, 128], strides = [1, 1]} : vector<32x512xf32> to vector<32x128xf32>
    %slice3A_101 = vector.extract_strided_slice %slice3A_98 {offsets = [0, 256], sizes = [32, 128], strides = [1, 1]} : vector<32x512xf32> to vector<32x128xf32>
    %slice3A_102 = vector.extract_strided_slice %slice3A_98 {offsets = [0, 384], sizes = [32, 128], strides = [1, 1]} : vector<32x512xf32> to vector<32x128xf32>
    %concatenate3A_103 = tpu.concatenate %slice3A_99, %slice3A_100, %slice3A_101, %slice3A_102 in 0 : vector<32x128xf32>, vector<32x128xf32>, vector<32x128xf32>, vector<32x128xf32> -> vector<128x128xf32>
    %transpose3A_104 = tpu.transpose %concatenate3A_103, [1, 0] : vector<128x128xf32> -> vector<128x128xf32>
    %swap3A_105 = arith.constant 1280 : index
    %swap3A_106 = arith.constant 0 : index
    %swap3A_107 = vector.load %arg2[%swap3A_105, %swap3A_106] : memref<2048x128xf32, #tpu.memory_space<vmem>>, vector<128x128xf32>
    tpu.vector_store %arg2[%swap3A_105, %swap3A_106], %transpose3A_104 {strides = array<i32>} : memref<2048x128xf32, #tpu.memory_space<vmem>>, vector<128x128xf32>,
    %slice3A_108 = vector.extract_strided_slice %get3A_1 {offsets = [0, 5632], sizes = [32, 512], strides = [1, 1]} : vector<32x8192xf32> to vector<32x512xf32>
    %slice3A_109 = vector.extract_strided_slice %slice3A_108 {offsets = [0, 0], sizes = [32, 128], strides = [1, 1]} : vector<32x512xf32> to vector<32x128xf32>
    %slice3A_110 = vector.extract_strided_slice %slice3A_108 {offsets = [0, 128], sizes = [32, 128], strides = [1, 1]} : vector<32x512xf32> to vector<32x128xf32>
    %slice3A_111 = vector.extract_strided_slice %slice3A_108 {offsets = [0, 256], sizes = [32, 128], strides = [1, 1]} : vector<32x512xf32> to vector<32x128xf32>
    %slice3A_112 = vector.extract_strided_slice %slice3A_108 {offsets = [0, 384], sizes = [32, 128], strides = [1, 1]} : vector<32x512xf32> to vector<32x128xf32>
    %concatenate3A_113 = tpu.concatenate %slice3A_109, %slice3A_110, %slice3A_111, %slice3A_112 in 0 : vector<32x128xf32>, vector<32x128xf32>, vector<32x128xf32>, vector<32x128xf32> -> vector<128x128xf32>
    %transpose3A_114 = tpu.transpose %concatenate3A_113, [1, 0] : vector<128x128xf32> -> vector<128x128xf32>
    %swap3A_115 = arith.constant 1408 : index
    %swap3A_116 = arith.constant 0 : index
    %swap3A_117 = vector.load %arg2[%swap3A_115, %swap3A_116] : memref<2048x128xf32, #tpu.memory_space<vmem>>, vector<128x128xf32>
    tpu.vector_store %arg2[%swap3A_115, %swap3A_116], %transpose3A_114 {strides = array<i32>} : memref<2048x128xf32, #tpu.memory_space<vmem>>, vector<128x128xf32>,
    %slice3A_118 = vector.extract_strided_slice %get3A_1 {offsets = [0, 6144], sizes = [32, 512], strides = [1, 1]} : vector<32x8192xf32> to vector<32x512xf32>
    %slice3A_119 = vector.extract_strided_slice %slice3A_118 {offsets = [0, 0], sizes = [32, 128], strides = [1, 1]} : vector<32x512xf32> to vector<32x128xf32>
    %slice3A_120 = vector.extract_strided_slice %slice3A_118 {offsets = [0, 128], sizes = [32, 128], strides = [1, 1]} : vector<32x512xf32> to vector<32x128xf32>
    %slice3A_121 = vector.extract_strided_slice %slice3A_118 {offsets = [0, 256], sizes = [32, 128], strides = [1, 1]} : vector<32x512xf32> to vector<32x128xf32>
    %slice3A_122 = vector.extract_strided_slice %slice3A_118 {offsets = [0, 384], sizes = [32, 128], strides = [1, 1]} : vector<32x512xf32> to vector<32x128xf32>
    %concatenate3A_123 = tpu.concatenate %slice3A_119, %slice3A_120, %slice3A_121, %slice3A_122 in 0 : vector<32x128xf32>, vector<32x128xf32>, vector<32x128xf32>, vector<32x128xf32> -> vector<128x128xf32>
    %transpose3A_124 = tpu.transpose %concatenate3A_123, [1, 0] : vector<128x128xf32> -> vector<128x128xf32>
    %swap3A_125 = arith.constant 1536 : index
    %swap3A_126 = arith.constant 0 : index
    %swap3A_127 = vector.load %arg2[%swap3A_125, %swap3A_126] : memref<2048x128xf32, #tpu.memory_space<vmem>>, vector<128x128xf32>
    tpu.vector_store %arg2[%swap3A_125, %swap3A_126], %transpose3A_124 {strides = array<i32>} : memref<2048x128xf32, #tpu.memory_space<vmem>>, vector<128x128xf32>,
    %slice3A_128 = vector.extract_strided_slice %get3A_1 {offsets = [0, 6656], sizes = [32, 512], strides = [1, 1]} : vector<32x8192xf32> to vector<32x512xf32>
    %slice3A_129 = vector.extract_strided_slice %slice3A_128 {offsets = [0, 0], sizes = [32, 128], strides = [1, 1]} : vector<32x512xf32> to vector<32x128xf32>
    %slice3A_130 = vector.extract_strided_slice %slice3A_128 {offsets = [0, 128], sizes = [32, 128], strides = [1, 1]} : vector<32x512xf32> to vector<32x128xf32>
    %slice3A_131 = vector.extract_strided_slice %slice3A_128 {offsets = [0, 256], sizes = [32, 128], strides = [1, 1]} : vector<32x512xf32> to vector<32x128xf32>
    %slice3A_132 = vector.extract_strided_slice %slice3A_128 {offsets = [0, 384], sizes = [32, 128], strides = [1, 1]} : vector<32x512xf32> to vector<32x128xf32>
    %concatenate3A_133 = tpu.concatenate %slice3A_129, %slice3A_130, %slice3A_131, %slice3A_132 in 0 : vector<32x128xf32>, vector<32x128xf32>, vector<32x128xf32>, vector<32x128xf32> -> vector<128x128xf32>
    %transpose3A_134 = tpu.transpose %concatenate3A_133, [1, 0] : vector<128x128xf32> -> vector<128x128xf32>
    %swap3A_135 = arith.constant 1664 : index
    %swap3A_136 = arith.constant 0 : index
    %swap3A_137 = vector.load %arg2[%swap3A_135, %swap3A_136] : memref<2048x128xf32, #tpu.memory_space<vmem>>, vector<128x128xf32>
    tpu.vector_store %arg2[%swap3A_135, %swap3A_136], %transpose3A_134 {strides = array<i32>} : memref<2048x128xf32, #tpu.memory_space<vmem>>, vector<128x128xf32>,
    %slice3A_138 = vector.extract_strided_slice %get3A_1 {offsets = [0, 7168], sizes = [32, 512], strides = [1, 1]} : vector<32x8192xf32> to vector<32x512xf32>
    %slice3A_139 = vector.extract_strided_slice %slice3A_138 {offsets = [0, 0], sizes = [32, 128], strides = [1, 1]} : vector<32x512xf32> to vector<32x128xf32>
    %slice3A_140 = vector.extract_strided_slice %slice3A_138 {offsets = [0, 128], sizes = [32, 128], strides = [1, 1]} : vector<32x512xf32> to vector<32x128xf32>
    %slice3A_141 = vector.extract_strided_slice %slice3A_138 {offsets = [0, 256], sizes = [32, 128], strides = [1, 1]} : vector<32x512xf32> to vector<32x128xf32>
    %slice3A_142 = vector.extract_strided_slice %slice3A_138 {offsets = [0, 384], sizes = [32, 128], strides = [1, 1]} : vector<32x512xf32> to vector<32x128xf32>
    %concatenate3A_143 = tpu.concatenate %slice3A_139, %slice3A_140, %slice3A_141, %slice3A_142 in 0 : vector<32x128xf32>, vector<32x128xf32>, vector<32x128xf32>, vector<32x128xf32> -> vector<128x128xf32>
    %transpose3A_144 = tpu.transpose %concatenate3A_143, [1, 0] : vector<128x128xf32> -> vector<128x128xf32>
    %swap3A_145 = arith.constant 1792 : index
    %swap3A_146 = arith.constant 0 : index
    %swap3A_147 = vector.load %arg2[%swap3A_145, %swap3A_146] : memref<2048x128xf32, #tpu.memory_space<vmem>>, vector<128x128xf32>
    tpu.vector_store %arg2[%swap3A_145, %swap3A_146], %transpose3A_144 {strides = array<i32>} : memref<2048x128xf32, #tpu.memory_space<vmem>>, vector<128x128xf32>,
    %slice3A_148 = vector.extract_strided_slice %get3A_1 {offsets = [0, 7680], sizes = [32, 512], strides = [1, 1]} : vector<32x8192xf32> to vector<32x512xf32>
    %slice3A_149 = vector.extract_strided_slice %slice3A_148 {offsets = [0, 0], sizes = [32, 128], strides = [1, 1]} : vector<32x512xf32> to vector<32x128xf32>
    %slice3A_150 = vector.extract_strided_slice %slice3A_148 {offsets = [0, 128], sizes = [32, 128], strides = [1, 1]} : vector<32x512xf32> to vector<32x128xf32>
    %slice3A_151 = vector.extract_strided_slice %slice3A_148 {offsets = [0, 256], sizes = [32, 128], strides = [1, 1]} : vector<32x512xf32> to vector<32x128xf32>
    %slice3A_152 = vector.extract_strided_slice %slice3A_148 {offsets = [0, 384], sizes = [32, 128], strides = [1, 1]} : vector<32x512xf32> to vector<32x128xf32>
    %concatenate3A_153 = tpu.concatenate %slice3A_149, %slice3A_150, %slice3A_151, %slice3A_152 in 0 : vector<32x128xf32>, vector<32x128xf32>, vector<32x128xf32>, vector<32x128xf32> -> vector<128x128xf32>
    %transpose3A_154 = tpu.transpose %concatenate3A_153, [1, 0] : vector<128x128xf32> -> vector<128x128xf32>
    %swap3A_155 = arith.constant 1920 : index
    %swap3A_156 = arith.constant 0 : index
    %swap3A_157 = vector.load %arg2[%swap3A_155, %swap3A_156] : memref<2048x128xf32, #tpu.memory_space<vmem>>, vector<128x128xf32>
    tpu.vector_store %arg2[%swap3A_155, %swap3A_156], %transpose3A_154 {strides = array<i32>} : memref<2048x128xf32, #tpu.memory_space<vmem>>, vector<128x128xf32>,
    return
  }
  func.func @transform_0(%arg0: i32) -> (i32, i32) {
    %c0_i32 = arith.constant 0 : i32
    %c0_i32_0 = arith.constant 0 : i32
    return %c0_i32, %arg0 : i32, i32
  }
  func.func @transform_1(%arg0: i32) -> (i32, i32) {
    %c0_i32 = arith.constant 0 : i32
    %c0_i32_0 = arith.constant 0 : i32
    return %arg0, %c0_i32 : i32, i32
  }
}

</mosaic_0001>

<sc_bundles>
// kernel: kernel.5.cloned.1.call-start
scs
__scs_entry_jumppad:
0x0: {  	(pc) =	sbr.rel $0x88, $3  }
0x1: {  	(tag) =	ssettag $0x0;
	lr =	simm.s32 $0x1  }
0x2: {  	[smem:$0x3F9E] =	sst lr;
	_ =	strace $0xD0000000  }
0x3: {  	_ = 	snop  }
0x4: {  	_ = 	snop  }
0x5: {  	_ = 	snop  }
0x6: {  	_ = 	snop  }
0x7: {  	_ = 	snop  }
__scs_overlays_trampoline_lowered:
0x8: {  	[smem:$0x3FAD] =	sst s0  }
0x9: {  	[smem:$0x3FAE] =	sst s1  }
0xa: {  	[smem:$0x3FAF] =	sst s2  }
0xb: {  	[smem:$0x3FB0] =	sst s3  }
0xc: {  	[smem:$0x3FB1] =	sst s4  }
0xd: {  	[smem:$0x3FB2] =	sst s5  }
0xe: {  	[smem:$0x3FB3] =	sst s6  }
0xf: {  	[smem:$0x3FB4] =	sst s7  }
0x10: {  	[smem:$0x3FB5] =	sst s8  }
0x11: {  	[smem:$0x3FB6] =	sst s9;
	s0 =	simm.s32 @!p0 $0x0  }
0x12: {  	s1 =	sld [smem:$0x3F9C];
	s0 =	simm.s32 @p0 $0x1  }
0x13: {  	[smem:$0x3FB7] =	sst s0;
	s0 =	simm.s32 @!p1 $0x0  }
0x14: {  	s2 =	sld [smem:$0x3F9B];
	s0 =	simm.s32 @p1 $0x1  }
0x15: {  	[smem:$0x3FB8] =	sst s0;
	s0 =	simm.s32 @!p2 $0x0  }
0x16: {  	s3 =	sld [smem:$0x3FDB];
	s0 =	simm.s32 @p2 $0x1  }
0x17: {  	s4 =	simm.s32 $0x1BF5;
	[smem:$0x3FBA] =	sst s0  }
0x18: {  	s0 =	sld [smem:$0x3F9D];
	_ =	swait.ge [sflag:s4], $0x0  }
0x19: {  	s7 =	sld [smem:$0x3F9E]  }
0x1a: {  	s8 =	sadd.s32 $0xFFFFE003, lr  }
0x1b: {  	s9 =	sadd.s32 $0xFFFFFEF7, lr;
	s5 =	simm.s32 $0xFFFFFFFF;
	p2 =	slt.u32 s8, $0xFFFFF086  }
0x1c: {  	p1 =	slt.u32 s9, $0xF7A;
	s5 =	simm.s32 @!p2 $0x0  }
0x1d: {  	s5 =	simm.s32 @p1 $0x1;
	p0 =	seq.s32 s7, s2  }
0x1e: {  	s7 =	smul.u32 @!p0 $0xF7A, s2;
	p2 =	seq.s32 @!p0 s5, $0x0  }
0x1f: {  	s9 =	smul.u32 $0xF7A, s1;
	s8 =	simm.s32 @!p0 $0x1BF5;
	p2 =	por !p2, p0  }
0x20: {  	[sflag:s8] =	ssyncset.s32 @!p0 $0xFFFFF086;
	s6 =	sadd.s32 @!p0 s3, s7;
	s7 =	simm.s32 @!p0 $0x108  }
0x21: {  	s3 =	sadd.s32 s3, s9;
	s6 =	sadd.s32 @!p0 $0x88, s6;
	s7 =	simm.s32 @p2 $0x1082  }
0x22: {  	[simem:s7], [sflag:s8] =	dma.local @!p0 [hbm:s6], $0xF7A  }
0x23: {  	s9 =	sor.u32 $0xD0000000, s2;
	s6 =	simm.s32 $0x108;
	_ =	swait.ge @!p0 [sflag:s8], $0x0  }
0x24: {  	s3 =	sadd.s32 $0x88, s3;
	s6 =	simm.s32 @!p1 $0x1082;
	[sflag:s4] =	ssyncset.s32 $0xFFFFF086  }
0x25: {  	[simem:s6], [sflag:s4] =	dma.local [hbm:s3], $0xF7A  }
0x26: {  	[smem:$0x3F9E] =	sst s1;
	(tag) =	ssettag s2;
	_ =	strace s9  }
0x27: {  	s1 =	sld [smem:$0x3FAE]  }
0x28: {  	s2 =	sld [smem:$0x3FAF]  }
0x29: {  	s4 =	sld [smem:$0x3FB1]  }
0x2a: {  	p0 =	seq.s32 s5, $0x0;
	s5 =	sld [smem:$0x3FB2]  }
0x2b: {  	s6 =	sld [smem:$0x3FB3]  }
0x2c: {  	s7 =	sld [smem:$0x3FB4]  }
0x2d: {  	s3 =	simm.s32 $0x108;
	s8 =	sld [smem:$0x3FB5]  }
0x2e: {  	s3 =	simm.s32 @!p0 $0x1082;
	s9 =	sld [smem:$0x3FB6]  }
0x2f: {  	lr =	sadd.s32 s0, s3;
	s0 =	sld [smem:$0x3FAD]  }
0x30: {  	s3 =	sld [smem:$0x3FB0]  }
0x31: {  	[smem:$0x3FB9] =	sst s10  }
0x32: {  	s10 =	sld [smem:$0x3FB7];
	_ =	sdelay $0x3  }
0x33: {  	p0 =	seq.s32 s10, $0x1;
	s10 =	sld [smem:$0x3FB9];
	_ =	sdelay $0x3  }
0x34: {  	[smem:$0x3FB9] =	sst s10  }
0x35: {  	s10 =	sld [smem:$0x3FB8];
	_ =	sdelay $0x3  }
0x36: {  	p1 =	seq.s32 s10, $0x1;
	s10 =	sld [smem:$0x3FB9];
	_ =	sdelay $0x3  }
0x37: {  	[smem:$0x3FB9] =	sst s10  }
0x38: {  	s10 =	sld [smem:$0x3FBA]  }
0x39: {  	_ = 	snop;
	(pc) =	sbr.ind lr, $3  }
0x3a: {  	_ = 	snop  }
0x3b: {  	_ = 	snop  }
0x3c: {  	p2 =	seq.s32 s10, $0x1;
	s10 =	sld [smem:$0x3FB9]  }
0x3d: {  	_ =	shalt  }
0x3e: {  	_ =	shalt  }
0x3f: {  	_ =	shalt  }
0x40: {  	_ =	shalt  }
0x41: {  	_ =	shalt  }
0x42: {  	_ =	shalt  }
0x43: {  	_ =	shalt  }
0x44: {  	_ =	shalt  }
0x45: {  	_ =	shalt  }
0x46: {  	_ =	shalt  }
0x47: {  	_ =	shalt  }
0x48: {  	_ =	shalt  }
0x49: {  	_ =	shalt  }
0x4a: {  	_ =	shalt  }
0x4b: {  	_ =	shalt  }
0x4c: {  	_ =	shalt  }
0x4d: {  	_ =	shalt  }
0x4e: {  	_ =	shalt  }
0x4f: {  	_ =	shalt  }
0x50: {  	_ =	shalt  }
0x51: {  	_ =	shalt  }
0x52: {  	_ =	shalt  }
0x53: {  	_ =	shalt  }
0x54: {  	_ =	shalt  }
0x55: {  	_ =	shalt  }
0x56: {  	_ =	shalt  }
0x57: {  	_ =	shalt  }
0x58: {  	_ =	shalt  }
0x59: {  	_ =	shalt  }
0x5a: {  	_ =	shalt  }
0x5b: {  	_ =	shalt  }
0x5c: {  	_ =	shalt  }
0x5d: {  	_ =	shalt  }
0x5e: {  	_ =	shalt  }
0x5f: {  	_ =	shalt  }
0x60: {  	_ =	shalt  }
0x61: {  	_ =	shalt  }
0x62: {  	_ =	shalt  }
0x63: {  	_ =	shalt  }
0x64: {  	_ =	shalt  }
0x65: {  	_ =	shalt  }
0x66: {  	_ =	shalt  }
0x67: {  	_ =	shalt  }
0x68: {  	_ =	shalt  }
0x69: {  	_ =	shalt  }
0x6a: {  	_ =	shalt  }
0x6b: {  	_ =	shalt  }
0x6c: {  	_ =	shalt  }
0x6d: {  	_ =	shalt  }
0x6e: {  	_ =	shalt  }
0x6f: {  	_ =	shalt  }
0x70: {  	_ =	shalt  }
0x71: {  	_ =	shalt  }
0x72: {  	_ =	shalt  }
0x73: {  	_ =	shalt  }
0x74: {  	_ =	shalt  }
0x75: {  	_ =	shalt  }
0x76: {  	_ =	shalt  }
0x77: {  	_ =	shalt  }
0x78: {  	_ =	shalt  }
0x79: {  	_ =	shalt  }
0x7a: {  	_ =	shalt  }
0x7b: {  	_ =	shalt  }
0x7c: {  	_ =	shalt  }
0x7d: {  	_ =	shalt  }
0x7e: {  	_ =	shalt  }
0x7f: {  	_ =	shalt  }
0x80: {  	_ =	shalt  }
0x81: {  	_ =	shalt  }
0x82: {  	_ =	shalt  }
0x83: {  	_ =	shalt  }
0x84: {  	_ =	shalt  }
0x85: {  	_ =	shalt  }
0x86: {  	_ =	shalt  }
0x87: {  	_ =	shalt  }
.Lfunc_end0:
.L_simem_size_0:
called_computation_lowered:
.L_overlay_start_0:
0x88: {  	s2 =	sld [smem:$0x3FD9]  }
0x89: {  	s3 =	sld [smem:$0x3FFE];
	_ =	sdelay $0x1  }
0x8a: {  	s1 =	srdreg.scid  }
0x8b: {  	s0 =	sand.u32 $0x1, s1  }
0x8c: {  	s14 =	sshll.u32 s0, $0xA;
	s2 =	sadd.s32 s3, s2  }
0x8d: {  	s2 =	sadd.s32 s2, s14  }
0x8e: {  	[smem:$0x3FC5] =	sst s2  }
0x8f: {  	_ = 	snop  }
0x90: {  	s2 =	sld [smem:$0x3FD0];
	_ =	sdelay $0x2  }
0x91: {  	s15 =	simm.s32 $0xA;
	s4 =	simm.s32 $0x10  }
0x92: {  	[smem:s4], [sflag:s15] =	dma.local [hbm:s2], $0x1  }
0x93: {  	_ =	swait.eq [sflag:s15], $0x1  }
0x94: {  	[sflag:s15] =	ssyncset.done $0x0  }
0x95: {  	[sflag:s15] =	ssyncadd.s32 $0xFFFFFFFF  }
0x96: {  	s16 =	sld [smem:$0x10];
	(tm) =	ssettm $0x1  }
0x97: {  	s17 =	sld [smem:$0x3FFB];
	_ =	sdelay $0x3  }
0x98: {  	_ =	strace s17  }
0x99: {  	s3 =	sld [smem:$0x3FFC];
	_ =	sdelay $0x3  }
0x9a: {  	_ =	strace s3  }
0x9b: {  	s3 =	sld [smem:$0x3FFD];
	_ =	sdelay $0x3  }
0x9c: {  	_ =	strace s3  }
0x9d: {  	_ =	strace $0x8FFFFFFF  }
0x9e: {  	s18 =	sld [smem:$0x3FDB];
	_ =	sdelay $0x1  }
0x9f: {  	s19 =	simm.s32 $_scs_section_size  }
0xa0: {  	s5 =	simm.s32 $_size__tile_overlayer_lowered;
	s6 =	simm.s32 $_tile_overlayer_lowered  }
0xa1: {  	s22 =	simm.s32 $0x1BFF;
	s21 =	sshll.u32 s6, $0x1;
	s3 =	sadd.s32 s19, s18  }
0xa2: {  	s7 =	simm.s32 $0x0;
	s20 =	sshll.u32 s5, $0x1;
	s5 =	sadd.s32 s21, s3  }
0xa3: {  	[timem:s7], [sflag:s22] =	dma.local [hbm:s5], s20  }
0xa4: {  	_ =	swait.ge [sflag:s22], s20  }
0xa5: {  	s4 =	ssub.s32 $0x0, s20;
	[sflag:s22] =	ssyncset.done $0x0  }
0xa6: {  	[sflag:s22] =	ssyncadd.s32 s4;
	_ =	sdelay $0x1  }
0xa7: {  	s23 =	simm.s32 $0x1B8B  }
0xa8: {  	_ =	swait.ge [sflag:s23], $0x1  }
0xa9: {  	[sflag:s23] =	ssyncset.done $0x0  }
0xaa: {  	s25 =	simm.s32 $0x1B8E;
	s24 =	sld [smem:$0x3FFE];
	[sflag:s23] =	ssyncadd.s32 $0xFFFFFFFF  }
0xab: {  	s26 =	simm.s32 $execute0_lowered;
	[smem:$0x3FD2] =	sst s25  }
0xac: {  	s5 =	sshll.u32 s26, $0x1;
	_ =	strace $0x80000046;
	[dreg:$0x1] =	wrdreg $0xFFFFFFFF  }
0xad: {  	s28 =	simm.s32 $_size_execute0_lowered;
	s3 =	sadd.s32 s3, s5;
	[dreg:$0x0] =	wrdreg $0x0  }
0xae: {  	s5 =	sshll.u32 s28, $0x1;
	[dreg:$0x2] =	wrdreg s3  }
0xaf: {  	[dreg:$0x3] =	wrdreg s5  }
0xb0: {  	[dreg:$0x4] =	wrdreg $0xC0  }
0xb1: {  	_ =	task [dreg:s7], $0x5FFFF  }
0xb2: {  	[dreg:$0x1] =	wrdreg $0xFFFFFFFF  }
0xb3: {  	[dreg:$0x0] =	wrdreg $0x60  }
0xb4: {  	[dreg:$0x2] =	wrdreg s24  }
0xb5: {  	[dreg:$0x3] =	wrdreg s16  }
0xb6: {  	[dreg:$0x4] =	wrdreg $0x9  }
0xb7: {  	_ =	task.clear_ibuf [dreg:s7], $0x5FFFF;
	_ =	strace $0x90000046  }
0xb8: {  	s29 =	simm.s32 $0x9;
	_ =	strace $0x80000048  }
0xb9: {  	_ =	swait.ge [sflag:s29], $0x1  }
0xba: {  	[sflag:s29] =	ssyncadd.s32 $0xFFFFFFFF  }
0xbb: {  	_ =	strace $0x90000048  }
0xbc: {  	_ =	sfence  }
0xbd: {  	s30 =	sld [smem:$0x0];
	_ =	sdelay $0x2  }
0xbe: {  	s31 =	sshll.u32 s1, $0xD;
	s1 =	sshrl.u32 s1, $0x2  }
0xbf: {  	s3 =	sand.u32 $0x4000, s31;
	s1 =	sadd.s32 s1, s30  }
0xc0: {  	s0 =	sor.u32 s3, s0;
	s1 =	sshll.u32 s1, $0x11  }
0xc1: {  	s0 =	sor.u32 s1, s0  }
0xc2: {  	s0 =	sadd.s32 $0x8F2B, s0  }
0xc3: {  	[sflag:s0] =	ssyncadd.remote.s32 $0x1  }
0xc4: {  	_ =	sfence.sel $0xFFFF  }
0xc5: {  	[dreg:$0x0] =	wrdreg $0xFFFFFFFF;
	(pc) =	sbr.abs _section_cstart, $3  }
0xc6: {  	[dreg:$0x1] =	wrdreg $0xFFFFFFFF  }
0xc7: {  	_ =	task.clear_ibuf [dreg:s7], $0x2FFFF;
	_ =	strace $0x9FFFFFFF  }
0xc8: {  	(tm) =	ssettm $0x7FFFFFFF  }
0xc9: {  	_ =	shalt  }
tec
execute0_lowered:
.L_overlay_start_1:
0x0: {  	(tag) =	ssettag $0x1  }
0x1: {  	v0 =	vimm.s32 $0x25B8  }
0x2: {  	vm0 =	vcmask $0x300;
	vm1 =	vcmask $0x704;
	v1 =	vimm.s32 $0x69B8;
	s6 =	rddreg [dreg:$0x0]  }
0x3: {  	s0 =	srdreg.scid;
	vm2 =	vcmask $0xB08;
	s2 =	rddreg [dreg:$0x1];
	v0 =	vsel vm0, $0x0, v0;
	v1 =	vsel vm0, $0x4400, v1  }
0x4: {  	vm3 =	vcmask $0xF0C;
	s3 =	simm.s32 $0x0;
	s8 =	simm.s32 $0x1;
	s14 =	simm.s32 $0x400;
	v0 =	vsel vm1, $0x88, v0;
	v1 =	vsel vm1, $0x4488, v1  }
0x5: {  	vm15 =	vcmask $0x1310;
	s15 =	simm.s32 $0x200;
	s16 =	simm.s32 $0x800;
	s5 =	sand.u32 $0x1, s0;
	v0 =	vsel vm2, $0x110, v0;
	v1 =	vsel vm2, $0x4510, v1  }
0x6: {  	vm6 =	vcmask $0x1714;
	s17 =	simm.s32 $0x4800;
	s0 =	stileid.u32;
	s1 =	sshll.u32 s5, $0x4;
	v0 =	vsel vm3, $0x198, v0;
	v1 =	vsel vm3, $0x4598, v1  }
0x7: {  	vm7 =	vcmask $0x1B18;
	s18 =	simm.s32 $0x10800;
	s7 =	sand.u32 $0x7, s0;
	s4 =	sor.u32 s0, s1;
	v0 =	vsel vm15, $0x220, v0;
	v1 =	vsel vm15, $0x4620, v1  }
0x8: {  	vm8 =	vcmask $0x1F1C;
	s19 =	simm.s32 $0x4;
	p1 =	sne.s32 s7, $0x0;
	p0 =	seq.s32 s4, $0x0;
	v0 =	vsel vm6, $0x2A8, v0;
	v1 =	vsel vm6, $0x46A8, v1  }
0x9: {  	vm9 =	vcmask $0x2320;
	s20 =	simm.s32 $0x0;
	[smem:$0x7FF] =	sst s3;
	p0 =	por !p1, !p0;
	v0 =	vsel vm7, $0x330, v0;
	v1 =	vsel vm7, $0x4730, v1  }
0xa: {  	vm10 =	vcmask $0x2724;
	s9 =	ssub.s32 $0x2, s5;
	s1 =	rddreg [dreg:$0x2];
	p0 =	por !p0, !p0;
	v0 =	vsel vm8, $0x3B8, v0;
	v1 =	vsel vm8, $0x47B8, v1  }
0xb: {  	vm11 =	vcmask $0x2B28;
	_ =	strace $0x80000047;
	s4 =	sshrl.u32 s4, $0x3;
	s8 =	simm.s32 @!p0 $0x0;
	v0 =	vsel vm9, $0x2200, v0;
	v1 =	vsel vm9, $0x6600, v1  }
0xc: {  	vm12 =	vcmask $0x2F2C;
	s28 =	smul.u32 $0x19000, s7;
	s10 =	sshrl.u32 s9, $0x1;
	s12 =	ssub.s32 s4, s8;
	v0 =	vsel vm10, $0x2288, v0;
	v1 =	vsel vm10, $0x6688, v1  }
0xd: {  	vm13 =	vcmask $0x3330;
	s7 =	smul.u32 $0x19, s7;
	s13 =	ssub.s32 s9, s10;
	s5 =	sshll.u32 s12, $0xA;
	v0 =	vsel vm11, $0x2310, v0;
	v1 =	vsel vm11, $0x6710, v1  }
0xe: {  	vm14 =	vcmask $0x3734;
	s13 =	smax.u32 s13, $0x1;
	s4 =	sadd.s32 $0x3D8800, s6;
	s11 =	sadd.s32 s28, s5;
	v0 =	vsel vm12, $0x2398, v0;
	v1 =	vsel vm12, $0x6798, v1  }
0xf: {  	v2 =	vimm.s32 $0x0;
	s6 =	sadd.s32 $0x800, s6;
	s8 =	simm.s32 $0x1;
	s29 =	sadd.s32 $0x1000, s11;
	v0 =	vsel vm13, $0x2420, v0;
	v1 =	vsel vm13, $0x6820, v1  }
0x10: {  	vm15 =	vcmask $0x3B38;
	s12 =	sshll.u32 s12, $0xD;
	s30 =	sshrl.u32 s11, $0x3;
	s31 =	sshrl.u32 s29, $0x3;
	v0 =	vsel vm14, $0x24A8, v0;
	v3 =	vsel vm14, $0x68A8, v1  }
0x11: {  	s11 =	sadd.s32 $0x2, s7;
	s9 =	sadd.s32 s4, s30;
	s10 =	sadd.s32 s4, s31;
	v1 =	vsel vm0, $0x3, v2;
	v0 =	vsel vm15, $0x2530, v0;
	v2 =	vsel vm15, $0x6930, v3  }
.LBB2_1:
0x12: {  	[tilespmem:s3], [sflag:$0x1] =	stream.linear.gather [hbm4b:s9+s3], $0x400, $0x38;
	[tilespmem:$0x19000] =	vst v63  }
0x13: {  	_ =	swait.ge [sflag:s8], $0x400  }
0x14: {  	[sflag:s8] =	ssyncset.done $0x0  }
0x15: {  	s21 =	simm.s32 $0x0;
	s22 =	simm.s32 $0x40;
	[sflag:s8] =	ssyncadd.s32 $0xFFFFFC00  }
.LBB2_2:
0x16: {  	p0 =	sne.s32 s22, $0xFC0;
	v3 =	vld [tilespmem:s21+$0x0];
	_ =	sdelay $0x4  }
.Ltmp0:
0x17: {  	v4 =	vshll.u32 v3, $0x2;
	(pc) =	sbr.rel @p0 .LBB2_2-.Ltmp0, $4  }
0x18: {  	v5 =	vand.u32 $0xFFFFFE00, v3;
	v3 =	vshrl.u32 v3, $0x7;
	v4 =	vand.u32 $0x1FC, v4  }
0x19: {  	v3 =	vand.u32 $0x3, v3;
	v4 =	vor.u32 v5, v4  }
0x1a: {  	v3 =	vor.u32 v3, v4  }
0x1b: {  	[tilespmem:s21+$0x0] =	vst v3;
	s21 =	sshra.s32 s22, $0x2;
	s22 =	sadd.s32 $0x40, s22  }
0x1c: {  	v3 =	vld [tilespmem:s21+$0x0];
	_ =	sdelay $0x4  }
0x1d: {  	v4 =	vshll.u32 v3, $0x2  }
0x1e: {  	v5 =	vand.u32 $0xFFFFFE00, v3;
	v3 =	vshrl.u32 v3, $0x7;
	v4 =	vand.u32 $0x1FC, v4  }
0x1f: {  	v3 =	vand.u32 $0x3, v3;
	v4 =	vor.u32 v5, v4  }
0x20: {  	v3 =	vor.u32 v3, v4  }
0x21: {  	[tilespmem:s21+$0x0] =	vst v3;
	s21 =	simm.s32 $0x0  }
0x22: {  	[tilespmem:s14], [sflag:$0x1] =	stream.linear.gather [hbm4b:s10+s21], $0x400, $0x38;
	[tilespmem:$0x19000] =	vst v63  }
0x23: {  	_ = 	snop  }
0x24: {  	[tilespmem:s16], [sflag:$0x2] =	stream.indirect.gather [hbm4b:s6+s15], $0x20, s21, s15, $0xb8;
	[tilespmem:$0x19000] =	vst v63  }
0x25: {  	p0 =	por $0x1, $0x1;
	p1 =	por $0x0, $0x0  }
0x26: {  	[tilespmem:s17], [sflag:$0x2] =	stream.indirect.gather [hbm4b:s6+s15], $0x20, s15, s15, $0xb8;
	[tilespmem:$0x19000] =	vst v63  }
.LBB2_4:
0x27: {  	p2 =	seq.s32 s21, $0x18  }
.Ltmp1:
0x28: {  	_ = 	snop;
	(pc) =	sbr.rel @p2 .LBB2_8-.Ltmp1, $2  }
0x29: {  	_ =	sdelay $0x2  }
0x2a: {  	s22 =	sand.u32 $0x1, s21  }
0x2b: {  	s23 =	simm.s32 $0x1  }
0x2c: {  	s23 =	simm.s32 @!p0 $0x0  }
0x2d: {  	s25 =	sshll.u32 s23, $0xA  }
0x2e: {  	v3 =	vmov s25;
	_ =	sdelay $0x1  }
0x2f: {  	_ =	swait.ge [sflag:s8], $0x400  }
0x30: {  	s24 =	sxor.u32 $0x1, s22;
	s26 =	simm.s32 $0x40;
	[sflag:s8] =	ssyncset.done $0x0  }
0x31: {  	[sflag:s8] =	ssyncadd.s32 $0xFFFFFC00;
	s23 =	sshll.u32 s24, $0xA;
	s25 =	simm.s32 $0x0  }
.LBB2_6:
0x32: {  	p2 =	sne.s32 s26, $0xFC0;
	v4 =	vld.idx.msk [tilespmem:v3+s25+$0x0 ss:$0x1], $0xffff;
	_ =	sdelay $0x5  }
.Ltmp2:
0x33: {  	v5 =	vshll.u32 v4, $0x2;
	(pc) =	sbr.rel @p2 .LBB2_6-.Ltmp2, $4  }
0x34: {  	v6 =	vand.u32 $0xFFFFFE00, v4;
	v4 =	vshrl.u32 v4, $0x7;
	v5 =	vand.u32 $0x1FC, v5  }
0x35: {  	v4 =	vand.u32 $0x3, v4;
	v5 =	vor.u32 v6, v5  }
0x36: {  	v4 =	vor.u32 v4, v5  }
0x37: {  	[tilespmem:v3+s25+$0x0 ss:$0x1] =	vst.idx.msk $0xffff, v4;
	s25 =	sshra.s32 s26, $0x2;
	s26 =	sadd.s32 $0x40, s26  }
0x38: {  	_ =	sdelay $0x3  }
0x39: {  	v4 =	vld.idx.msk [tilespmem:v3+s25+$0x0 ss:$0x1], $0xffff;
	_ =	sdelay $0x4  }
0x3a: {  	v5 =	vshll.u32 v4, $0x2  }
0x3b: {  	v6 =	vand.u32 $0xFFFFFE00, v4;
	v4 =	vshrl.u32 v4, $0x7;
	v5 =	vand.u32 $0x1FC, v5  }
0x3c: {  	v4 =	vand.u32 $0x3, v4;
	v5 =	vor.u32 v6, v5  }
0x3d: {  	s26 =	sshll.u32 s24, $0xF;
	v4 =	vor.u32 v4, v5  }
0x3e: {  	s29 =	sor.u32 $0x2, s24;
	s28 =	sor.u32 $0x800, s26;
	[tilespmem:v3+s25+$0x0 ss:$0x1] =	vst.idx.msk $0xffff, v4  }
0x3f: {  	[tilespmem:s28], [sflag:s29] =	stream.indirect.gather [hbm4b:s6+s15], $0x20, s23, s15, $0xb8;
	[tilespmem:$0x19000] =	vst v63  }
0x40: {  	s31 =	sadd.s32 $0x200, s23;
	s30 =	sor.u32 $0x4800, s26  }
0x41: {  	[tilespmem:s30], [sflag:s29] =	stream.indirect.gather [hbm4b:s6+s15], $0x20, s31, s15, $0xb8;
	[tilespmem:$0x19000] =	vst v63  }
.LBB2_8:
0x42: {  	s22 =	sor.u32 $0x2, s22  }
0x43: {  	_ =	swait.ge [sflag:s22], $0x4000  }
0x44: {  	p2 =	sgt.u32 s21, $0x16;
	[sflag:s22] =	ssyncset.done $0x0  }
0x45: {  	s23 =	sadd.s32 @!p2 s21, s11;
	[sflag:s22] =	ssyncadd.s32 $0xFFFFC000  }
0x46: {  	s23 =	sshll.u32 @!p2 s23, $0xC;
	_ =	swait.ge [sflag:s22], $0x4000  }
0x47: {  	s24 =	simm.s32 @!p2 $0x0;
	s23 =	sadd.s32 @!p2 s5, s23;
	[sflag:s22] =	ssyncset.done $0x0  }
0x48: {  	s23 =	sshrl.u32 @!p2 s23, $0x3;
	[sflag:s22] =	ssyncadd.s32 $0xFFFFC000;
	s22 =	sshll.u32 @!p2 s21, $0xA  }
0x49: {  	p3 =	seq.s32 @!p2 s21, $0x0;
	s23 =	sadd.s32 @!p2 s4, s23;
	s22 =	sand.u32 @!p2 $0x400, s22  }
0x4a: {  	[tilespmem:s22], [sflag:$0x1] =	stream.linear.gather @!p2 [hbm4b:s23+s24], $0x400, $0x38;
	[tilespmem:$0x19000] =	vst v63  }
0x4b: {  	p2 =	por p2, !p3  }
0x4c: {  	_ =	swait.ge @p2 [sflag:s19], $0x2000  }
0x4d: {  	[sflag:s19] =	ssyncset.done @p2 $0x0  }
0x4e: {  	[sflag:s19] =	ssyncadd.s32 @p2 $0xFFFFE000  }
0x4f: {  	_ =	swait.ge @p2 [sflag:s19], $0x2000  }
0x50: {  	s23 =	simm.s32 $0x0;
	[sflag:s19] =	ssyncset.done @p2 $0x0  }
0x51: {  	s24 =	simm.s32 $0x0;
	s22 =	sand.u32 $0x38, s23;
	[sflag:s19] =	ssyncadd.s32 @p2 $0xFFFFE000  }
0x52: {  	s23 =	sand.u32 $0x78, s24;
	v3 =	vmov s22;
	_ =	swait.ge @p2 [sflag:s19], $0x2000  }
0x53: {  	v4 =	vmov s23;
	v3 =	vmul.u32 $0x88, v3;
	[sflag:s19] =	ssyncset.done @p2 $0x0  }
0x54: {  	s22 =	simm.s32 $0x1;
	v4 =	vshrl.u32 v4, $0x3;
	[sflag:s19] =	ssyncadd.s32 @p2 $0xFFFFE000  }
0x55: {  	s22 =	simm.s32 @!p1 $0x0;
	v4 =	vshll.u32 v4, v1;
	v3 =	vbroadcast v3, $0x0;
	_ =	swait.ge @p2 [sflag:s19], $0x2000  }
0x56: {  	s22 =	sshll.u32 s22, $0xF;
	v4 =	vbroadcast v4, $0x0;
	[sflag:s19] =	ssyncset.done @p2 $0x0  }
0x57: {  	s25 =	simm.s32 $0x1;
	s22 =	sor.u32 $0x880, s22;
	v5 =	vadd.s32 v0, v3;
	[sflag:s19] =	ssyncadd.s32 @p2 $0xFFFFE000  }
0x58: {  	s23 =	sand.u32 $0x78, s25;
	v3 =	vadd.s32 v2, v3;
	v7 =	vadd.s32 v4, v5;
	v6 =	vld [tilespmem:s22+$0xFFFFFF80]  }
0x59: {  	v8 =	vmov s23;
	v4 =	vadd.s32 v4, v3;
	v9 =	vld [tilespmem:s22+$0xFFFFFF90]  }
0x5a: {  	v8 =	vshrl.u32 v8, $0x3  }
0x5b: {  	v8 =	vshll.u32 v8, v1  }
0x5c: {  	v8 =	vbroadcast v8, $0x0  }
0x5d: {  	[tilespmem:v7+s18+$0x0] =	vst.idx.msk $0xffff, v6  }
0x5e: {  	s26 =	simm.s32 $0x2;
	[tilespmem:v4+s18+$0x0] =	vst.idx.msk $0xffff, v9;
	v4 =	vadd.s32 v5, v8  }
0x5f: {  	s23 =	sand.u32 $0x78, s26;
	v6 =	vadd.s32 v3, v8;
	v7 =	vld [tilespmem:s22+$0xFFFFFFA0];
	v4 =	vor.u32 $0x1, v4  }
0x60: {  	v8 =	vmov s23;
	v6 =	vor.u32 $0x1, v6;
	v9 =	vld [tilespmem:s22+$0xFFFFFFB0]  }
0x61: {  	v8 =	vshrl.u32 v8, $0x3  }
0x62: {  	v8 =	vshll.u32 v8, v1  }
0x63: {  	v8 =	vbroadcast v8, $0x0  }
0x64: {  	[tilespmem:v4+s18+$0x0] =	vst.idx.msk $0xffff, v7  }
0x65: {  	s29 =	simm.s32 $0x3;
	v4 =	vadd.s32 v5, v8;
	[tilespmem:v6+s18+$0x0] =	vst.idx.msk $0xffff, v9  }
0x66: {  	s23 =	sand.u32 $0x78, s29;
	v6 =	vadd.s32 v3, v8;
	v4 =	vor.u32 $0x2, v4;
	v7 =	vld [tilespmem:s22+$0xFFFFFFC0]  }
0x67: {  	v8 =	vmov s23;
	v9 =	vld [tilespmem:s22+$0xFFFFFFD0];
	v6 =	vor.u32 $0x2, v6  }
0x68: {  	v8 =	vshrl.u32 v8, $0x3  }
0x69: {  	v8 =	vshll.u32 v8, v1  }
0x6a: {  	v8 =	vbroadcast v8, $0x0  }
0x6b: {  	[tilespmem:v4+s18+$0x0] =	vst.idx.msk $0xffff, v7  }
0x6c: {  	s30 =	simm.s32 $0x4;
	v4 =	vadd.s32 v5, v8;
	[tilespmem:v6+s18+$0x0] =	vst.idx.msk $0xffff, v9  }
0x6d: {  	s23 =	sand.u32 $0x78, s30;
	v6 =	vadd.s32 v3, v8;
	v4 =	vor.u32 $0x3, v4;
	v7 =	vld [tilespmem:s22+$0xFFFFFFE0]  }
0x6e: {  	v8 =	vmov s23;
	v9 =	vld [tilespmem:s22+$0xFFFFFFF0];
	v6 =	vor.u32 $0x3, v6  }
0x6f: {  	v8 =	vshrl.u32 v8, $0x3  }
0x70: {  	v8 =	vshll.u32 v8, v1  }
0x71: {  	v8 =	vbroadcast v8, $0x0  }
0x72: {  	[tilespmem:v4+s18+$0x0] =	vst.idx.msk $0xffff, v7  }
0x73: {  	s31 =	simm.s32 $0x5;
	v4 =	vadd.s32 v5, v8;
	[tilespmem:v6+s18+$0x0] =	vst.idx.msk $0xffff, v9  }
0x74: {  	s23 =	sand.u32 $0x78, s31;
	v6 =	vadd.s32 v3, v8;
	v4 =	vor.u32 $0x4, v4;
	v7 =	vld [tilespmem:s22+$0x0]  }
0x75: {  	v8 =	vmov s23;
	v9 =	vld [tilespmem:s22+$0x10];
	v6 =	vor.u32 $0x4, v6  }
0x76: {  	v8 =	vshrl.u32 v8, $0x3  }
0x77: {  	v8 =	vshll.u32 v8, v1  }
0x78: {  	v8 =	vbroadcast v8, $0x0  }
0x79: {  	[tilespmem:v4+s18+$0x0] =	vst.idx.msk $0xffff, v7  }
0x7a: {  	s24 =	simm.s32 $0x6;
	v4 =	vadd.s32 v5, v8;
	[tilespmem:v6+s18+$0x0] =	vst.idx.msk $0xffff, v9  }
0x7b: {  	s23 =	sand.u32 $0x78, s24;
	v6 =	vadd.s32 v3, v8;
	v4 =	vor.u32 $0x5, v4;
	v7 =	vld [tilespmem:s22+$0x20]  }
0x7c: {  	v8 =	vmov s23;
	v9 =	vld [tilespmem:s22+$0x30];
	v6 =	vor.u32 $0x5, v6  }
0x7d: {  	v8 =	vshrl.u32 v8, $0x3  }
0x7e: {  	v8 =	vshll.u32 v8, v1  }
0x7f: {  	v8 =	vbroadcast v8, $0x0  }
0x80: {  	[tilespmem:v4+s18+$0x0] =	vst.idx.msk $0xffff, v7  }
0x81: {  	s25 =	simm.s32 $0x7;
	v4 =	vadd.s32 v5, v8;
	[tilespmem:v6+s18+$0x0] =	vst.idx.msk $0xffff, v9  }
0x82: {  	s23 =	sand.u32 $0x78, s25;
	v6 =	vadd.s32 v3, v8;
	v4 =	vor.u32 $0x6, v4;
	v7 =	vld [tilespmem:s22+$0x40]  }
0x83: {  	v8 =	vmov s23;
	v9 =	vld [tilespmem:s22+$0x50];
	v6 =	vor.u32 $0x6, v6  }
0x84: {  	v8 =	vshrl.u32 v8, $0x3  }
0x85: {  	v8 =	vshll.u32 v8, v1  }
0x86: {  	v8 =	vbroadcast v8, $0x0  }
0x87: {  	s26 =	simm.s32 $0x0;
	[tilespmem:v4+s18+$0x0] =	vst.idx.msk $0xffff, v7  }
0x88: {  	s23 =	sand.u32 $0x38, s26;
	s26 =	simm.s32 $0x9;
	v4 =	vadd.s32 v5, v8;
	[tilespmem:v6+s18+$0x0] =	vst.idx.msk $0xffff, v9  }
0x89: {  	s28 =	simm.s32 $0xA;
	s29 =	simm.s32 $0x8;
	s26 =	sand.u32 $0x78, s26;
	v12 =	vor.u32 $0x7, v4;
	v11 =	vld [tilespmem:s22+$0x60]  }
0x8a: {  	s30 =	sand.u32 $0x78, s28;
	s28 =	simm.s32 $0xC;
	s24 =	sand.u32 $0x78, s29;
	v3 =	vadd.s32 v3, v8;
	v5 =	vmov s26;
	v4 =	vmov s23  }
0x8b: {  	s31 =	sand.u32 $0x78, s28;
	s28 =	simm.s32 $0xB;
	v6 =	vor.u32 $0x7, v3;
	v3 =	vmov s24;
	v4 =	vmul.u32 $0x88, v4;
	v7 =	vld [tilespmem:s22+$0x70]  }
0x8c: {  	s28 =	sand.u32 $0x78, s28;
	s29 =	simm.s32 $0xE;
	s25 =	simm.s32 $0xF;
	v13 =	vshrl.u32 v5, $0x3;
	v5 =	vmov s31;
	v8 =	vshrl.u32 v3, $0x3  }
0x8d: {  	s29 =	sand.u32 $0x78, s29;
	s25 =	sand.u32 $0x78, s25;
	v3 =	vmov s30;
	s30 =	simm.s32 $0xD;
	v9 =	vbroadcast v4, $0x0;
	v4 =	vshll.u32 v8, v1  }
0x8e: {  	s23 =	simm.s32 $0x17;
	s24 =	simm.s32 $0x1;
	s26 =	sand.u32 $0x78, s30;
	v8 =	vshll.u32 v13, v1;
	v10 =	vbroadcast v4, $0x0;
	v4 =	vmov s29;
	[tilespmem:v12+s18+$0x0] =	vst.idx.msk $0xffff, v11  }
.LBB2_9:
0x8f: {  	p2 =	sne.s32 s23, $0x3FF  }
0x90: {  	v11 =	vadd.s32 v0, v9;
	v5 =	vshrl.u32 v5, $0x3;
	v12 =	vmov s25;
	[tilespmem:v6+s18+$0x0] =	vst.idx.msk $0xffff, v7;
	s22 =	sadd.s32 $0x100, s22;
	s25 =	smov.u32 s23;
	s23 =	sadd.s32 $0x8, s23  }
0x91: {  	v9 =	vadd.s32 v2, v9;
	v13 =	vmov s26;
	v6 =	vld [tilespmem:s22+$0xFFFFFF80];
	v7 =	vadd.s32 v10, v11  }
0x92: {  	v15 =	vmov s28;
	v10 =	vadd.s32 v10, v9;
	v5 =	vshll.u32 v5, v1;
	v14 =	vld [tilespmem:s22+$0xFFFFFF90]  }
0x93: {  	v4 =	vshrl.u32 v4, $0x3;
	v15 =	vshrl.u32 v15, $0x3;
	v5 =	vbroadcast v5, $0x0  }
0x94: {  	v13 =	vshrl.u32 v13, $0x3;
	v4 =	vshll.u32 v4, v1;
	v15 =	vshll.u32 v15, v1  }
0x95: {  	v8 =	vbroadcast v8, $0x0;
	v12 =	vshrl.u32 v12, $0x3;
	v15 =	vbroadcast v15, $0x0  }
0x96: {  	[tilespmem:v7+s18+$0x0] =	vst.idx.msk $0xffff, v6;
	v6 =	vadd.s32 v11, v5;
	v5 =	vadd.s32 v9, v5  }
0x97: {  	v4 =	vbroadcast v4, $0x0;
	v7 =	vadd.s32 v11, v8;
	v8 =	vadd.s32 v9, v8;
	[tilespmem:v10+s18+$0x0] =	vst.idx.msk $0xffff, v14  }
0x98: {  	v7 =	vor.u32 $0x1, v7;
	v14 =	vadd.s32 v11, v15;
	v15 =	vadd.s32 v9, v15;
	v10 =	vld [tilespmem:s22+$0xFFFFFFA0]  }
0x99: {  	v13 =	vshll.u32 v13, v1;
	v17 =	vadd.s32 v11, v4;
	v8 =	vor.u32 $0x1, v8;
	v16 =	vld [tilespmem:s22+$0xFFFFFFB0]  }
0x9a: {  	v3 =	vshrl.u32 v3, $0x3;
	v13 =	vbroadcast v13, $0x0;
	v4 =	vadd.s32 v9, v4  }
0x9b: {  	v3 =	vshll.u32 v3, v1;
	v12 =	vshll.u32 v12, v1  }
0x9c: {  	v3 =	vbroadcast v3, $0x0;
	v18 =	vadd.s32 v11, v13;
	v13 =	vadd.s32 v9, v13  }
0x9d: {  	[tilespmem:v7+s18+$0x0] =	vst.idx.msk $0xffff, v10;
	v7 =	vbroadcast v12, $0x0  }
0x9e: {  	[tilespmem:v8+s18+$0x0] =	vst.idx.msk $0xffff, v16;
	v8 =	vadd.s32 v11, v3;
	v3 =	vadd.s32 v9, v3  }
0x9f: {  	v10 =	vld [tilespmem:s22+$0xFFFFFFC0];
	v8 =	vor.u32 $0x2, v8;
	v11 =	vadd.s32 v11, v7;
	v9 =	vadd.s32 v9, v7  }
0xa0: {  	v3 =	vor.u32 $0x2, v3;
	v7 =	vld [tilespmem:s22+$0xFFFFFFD0];
	_ =	sdelay $0x3  }
0xa1: {  	[tilespmem:v8+s18+$0x0] =	vst.idx.msk $0xffff, v10  }
0xa2: {  	[tilespmem:v3+s18+$0x0] =	vst.idx.msk $0xffff, v7  }
0xa3: {  	v7 =	vor.u32 $0x3, v14;
	v3 =	vld [tilespmem:s22+$0xFFFFFFE0]  }
0xa4: {  	v10 =	vor.u32 $0x3, v15;
	v8 =	vld [tilespmem:s22+$0xFFFFFFF0];
	_ =	sdelay $0x3  }
0xa5: {  	[tilespmem:v7+s18+$0x0] =	vst.idx.msk $0xffff, v3  }
0xa6: {  	[tilespmem:v10+s18+$0x0] =	vst.idx.msk $0xffff, v8  }
0xa7: {  	v6 =	vor.u32 $0x4, v6;
	v3 =	vld [tilespmem:s22+$0x0]  }
0xa8: {  	v5 =	vor.u32 $0x4, v5;
	v7 =	vld [tilespmem:s22+$0x10];
	_ =	sdelay $0x3  }
0xa9: {  	[tilespmem:v6+s18+$0x0] =	vst.idx.msk $0xffff, v3  }
0xaa: {  	[tilespmem:v5+s18+$0x0] =	vst.idx.msk $0xffff, v7  }
0xab: {  	v5 =	vor.u32 $0x5, v18;
	v3 =	vld [tilespmem:s22+$0x20]  }
0xac: {  	v7 =	vor.u32 $0x5, v13;
	v6 =	vld [tilespmem:s22+$0x30];
	_ =	sdelay $0x3  }
0xad: {  	[tilespmem:v5+s18+$0x0] =	vst.idx.msk $0xffff, v3  }
0xae: {  	[tilespmem:v7+s18+$0x0] =	vst.idx.msk $0xffff, v6  }
0xaf: {  	v5 =	vor.u32 $0x6, v17;
	v3 =	vld [tilespmem:s22+$0x40]  }
0xb0: {  	v4 =	vor.u32 $0x6, v4;
	v6 =	vld [tilespmem:s22+$0x50];
	_ =	sdelay $0x3  }
0xb1: {  	s24 =	sadd.s32 $0x1, s24;
	[tilespmem:v5+s18+$0x0] =	vst.idx.msk $0xffff, v3  }
0xb2: {  	s26 =	sshrl.u32 s24, $0x1;
	s28 =	sadd.s32 $0xFFFFFFFB, s25;
	s29 =	sadd.s32 $0xFFFFFFFF, s25;
	[tilespmem:v4+s18+$0x0] =	vst.idx.msk $0xffff, v6  }
0xb3: {  	s30 =	sadd.s32 $0xFFFFFFF9, s25;
	s31 =	sadd.s32 $0xFFFFFFFA, s25;
	s26 =	sand.u32 $0x38, s26;
	v11 =	vor.u32 $0x7, v11;
	v12 =	vld [tilespmem:s22+$0x60]  }
.Ltmp3:
0xb4: {  	s30 =	sand.u32 $0x78, s30;
	v3 =	vmov s26;
	s26 =	sand.u32 $0x78, s31;
	v6 =	vor.u32 $0x7, v9;
	v7 =	vld [tilespmem:s22+$0x70];
	(pc) =	sbr.rel @p2 .LBB2_9-.Ltmp3, $4  }
0xb5: {  	v4 =	vmov s30;
	v5 =	vmul.u32 $0x88, v3;
	v3 =	vmov s26;
	s26 =	sand.u32 $0x78, s28;
	s28 =	sadd.s32 $0xFFFFFFFC, s25;
	s30 =	sadd.s32 $0xFFFFFFFD, s25  }
0xb6: {  	v4 =	vshrl.u32 v4, $0x3;
	v8 =	vshrl.u32 v3, $0x3;
	v3 =	vmov s26;
	s28 =	sand.u32 $0x78, s28;
	s26 =	sand.u32 $0x78, s30;
	s30 =	sadd.s32 $0xFFFFFFFE, s25  }
0xb7: {  	s29 =	sand.u32 $0x78, s29;
	v9 =	vbroadcast v5, $0x0;
	v4 =	vshll.u32 v4, v1;
	v5 =	vmov s26;
	s26 =	sand.u32 $0x78, s30  }
0xb8: {  	s25 =	sand.u32 $0x78, s25;
	v8 =	vshll.u32 v8, v1;
	v10 =	vbroadcast v4, $0x0;
	v4 =	vmov s29;
	[tilespmem:v11+s18+$0x0] =	vst.idx.msk $0xffff, v12  }
0xb9: {  	_ =	sdelay $0x3  }
0xba: {  	v11 =	vadd.s32 v0, v9;
	[tilespmem:v6+s18+$0x0] =	vst.idx.msk $0xffff, v7;
	s22 =	sadd.s32 $0x100, s22  }
0xbb: {  	v45 =	vadd.s32 v2, v9;
	v6 =	vld [tilespmem:s22+$0xFFFFFF80];
	v44 =	vadd.s32 v10, v11  }
0xbc: {  	v12 =	vld [tilespmem:s22+$0xFFFFFF90];
	v46 =	vadd.s32 v10, v45;
	_ =	sdelay $0x2  }
0xbd: {  	v8 =	vbroadcast v8, $0x0  }
0xbe: {  	[tilespmem:v44+s18+$0x0] =	vst.idx.msk $0xffff, v6  }
0xbf: {  	v47 =	vadd.s32 v11, v8;
	[tilespmem:v46+s18+$0x0] =	vst.idx.msk $0xffff, v12  }
0xc0: {  	v48 =	vadd.s32 v45, v8;
	v6 =	vor.u32 $0x1, v47;
	v49 =	vld [tilespmem:s22+$0xFFFFFFA0]  }
0xc1: {  	v7 =	vor.u32 $0x1, v48;
	v10 =	vld [tilespmem:s22+$0xFFFFFFB0]  }
0xc2: {  	v3 =	vshrl.u32 v3, $0x3  }
0xc3: {  	v3 =	vshll.u32 v3, v1  }
0xc4: {  	v3 =	vbroadcast v3, $0x0  }
0xc5: {  	[tilespmem:v6+s18+$0x0] =	vst.idx.msk $0xffff, v49  }
0xc6: {  	v50 =	vadd.s32 v11, v3;
	[tilespmem:v7+s18+$0x0] =	vst.idx.msk $0xffff, v10  }
0xc7: {  	v3 =	vadd.s32 v45, v3;
	v6 =	vor.u32 $0x2, v50;
	v7 =	vld [tilespmem:s22+$0xFFFFFFC0]  }
0xc8: {  	v51 =	vmov s28;
	v3 =	vor.u32 $0x2, v3;
	v10 =	vld [tilespmem:s22+$0xFFFFFFD0]  }
0xc9: {  	v8 =	vshrl.u32 v51, $0x3  }
0xca: {  	v8 =	vshll.u32 v8, v1  }
0xcb: {  	v8 =	vbroadcast v8, $0x0  }
0xcc: {  	[tilespmem:v6+s18+$0x0] =	vst.idx.msk $0xffff, v7  }
0xcd: {  	v52 =	vadd.s32 v11, v8;
	[tilespmem:v3+s18+$0x0] =	vst.idx.msk $0xffff, v10  }
0xce: {  	v6 =	vor.u32 $0x3, v52;
	v3 =	vadd.s32 v45, v8;
	v7 =	vld [tilespmem:s22+$0xFFFFFFE0]  }
0xcf: {  	v53 =	vld [tilespmem:s22+$0xFFFFFFF0];
	v3 =	vor.u32 $0x3, v3  }
0xd0: {  	v5 =	vshrl.u32 v5, $0x3  }
0xd1: {  	v5 =	vshll.u32 v5, v1  }
0xd2: {  	v5 =	vbroadcast v5, $0x0  }
0xd3: {  	[tilespmem:v6+s18+$0x0] =	vst.idx.msk $0xffff, v7  }
0xd4: {  	v54 =	vadd.s32 v11, v5;
	[tilespmem:v3+s18+$0x0] =	vst.idx.msk $0xffff, v53  }
0xd5: {  	v6 =	vor.u32 $0x4, v54;
	v3 =	vadd.s32 v45, v5;
	v55 =	vld [tilespmem:s22+$0x0]  }
0xd6: {  	v56 =	vmov s26;
	v8 =	vld [tilespmem:s22+$0x10];
	v3 =	vor.u32 $0x4, v3  }
0xd7: {  	v7 =	vshrl.u32 v56, $0x3  }
0xd8: {  	v7 =	vshll.u32 v7, v1  }
0xd9: {  	v7 =	vbroadcast v7, $0x0  }
0xda: {  	[tilespmem:v6+s18+$0x0] =	vst.idx.msk $0xffff, v55  }
0xdb: {  	v57 =	vadd.s32 v11, v7;
	[tilespmem:v3+s18+$0x0] =	vst.idx.msk $0xffff, v8  }
0xdc: {  	v5 =	vor.u32 $0x5, v57;
	v3 =	vadd.s32 v45, v7;
	v6 =	vld [tilespmem:s22+$0x20]  }
0xdd: {  	v58 =	vld [tilespmem:s22+$0x30];
	v3 =	vor.u32 $0x5, v3  }
0xde: {  	v4 =	vshrl.u32 v4, $0x3  }
0xdf: {  	v4 =	vshll.u32 v4, v1  }
0xe0: {  	v4 =	vbroadcast v4, $0x0  }
0xe1: {  	[tilespmem:v5+s18+$0x0] =	vst.idx.msk $0xffff, v6  }
0xe2: {  	v59 =	vadd.s32 v11, v4;
	[tilespmem:v3+s18+$0x0] =	vst.idx.msk $0xffff, v58  }
0xe3: {  	v5 =	vor.u32 $0x6, v59;
	v3 =	vadd.s32 v45, v4;
	v60 =	vld [tilespmem:s22+$0x40]  }
0xe4: {  	v61 =	vmov s25;
	v7 =	vld [tilespmem:s22+$0x50];
	v3 =	vor.u32 $0x6, v3  }
0xe5: {  	v6 =	vshrl.u32 v61, $0x3  }
0xe6: {  	v6 =	vshll.u32 v6, v1  }
0xe7: {  	v6 =	vbroadcast v6, $0x0  }
0xe8: {  	[tilespmem:v5+s18+$0x0] =	vst.idx.msk $0xffff, v60  }
0xe9: {  	v62 =	vadd.s32 v11, v6;
	[tilespmem:v3+s18+$0x0] =	vst.idx.msk $0xffff, v7  }
0xea: {  	v4 =	vor.u32 $0x7, v62;
	v3 =	vadd.s32 v45, v6;
	v5 =	vld [tilespmem:s22+$0x60]  }
0xeb: {  	s31 =	sadd.s32 s7, s21;
	v63 =	vld [tilespmem:s22+$0x70];
	v3 =	vor.u32 $0x7, v3  }
0xec: {  	s22 =	sshll.u32 s31, $0x11  }
0xed: {  	s22 =	sadd.s32 s12, s22  }
0xee: {  	s23 =	sshrl.u32 s22, $0x3  }
0xef: {  	s24 =	simm.s32 $0x10800;
	s23 =	sadd.s32 s2, s23;
	[tilespmem:v4+s18+$0x0] =	vst.idx.msk $0xffff, v5  }
0xf0: {  	s25 =	simm.s32 $0x10;
	s26 =	simm.s32 $0x10888;
	s28 =	sadd.s32 $0x0, s23;
	[tilespmem:v3+s18+$0x0] =	vst.idx.msk $0xffff, v63  }
.LBB2_11:
0xf1: {  	[hbm4b:s28+s3] =	stream.linear.scatter [tilespmem:s24], [sflag:$0x4], $0x80, $0x38;
	[tilespmem:$0x19000] =	vst v63  }
0xf2: {  	s28 =	smov.u32 s25;
	s24 =	smov.u32 s26;
	p2 =	sne.s32 s25, $0x3F0  }
.Ltmp4:
0xf3: {  	s25 =	sadd.s32 $0x10, s25;
	(pc) =	sbr.rel @p2 .LBB2_11-.Ltmp4, $2  }
0xf4: {  	_ =	sdelay $0x2  }
0xf5: {  	s26 =	sadd.s32 $0x88, s26;
	s28 =	sadd.s32 s28, s23  }
0xf6: {  	[hbm4b:s28+s3] =	stream.linear.scatter [tilespmem:s24], [sflag:$0x4], $0x80, $0x38;
	[tilespmem:$0x19000] =	vst v63  }
0xf7: {  	s23 =	sadd.s32 $0x8000, s22  }
0xf8: {  	s23 =	sshrl.u32 s23, $0x3  }
0xf9: {  	s24 =	simm.s32 $0x12A00;
	s23 =	sadd.s32 s2, s23  }
0xfa: {  	s25 =	simm.s32 $0x10;
	s26 =	simm.s32 $0x12A88;
	s28 =	sadd.s32 $0x0, s23  }
.LBB2_13:
0xfb: {  	[hbm4b:s28+s3] =	stream.linear.scatter [tilespmem:s24], [sflag:$0x4], $0x80, $0x38;
	[tilespmem:$0x19000] =	vst v63  }
0xfc: {  	s28 =	smov.u32 s25;
	s24 =	smov.u32 s26;
	p2 =	sne.s32 s25, $0x3F0  }
.Ltmp5:
0xfd: {  	s25 =	sadd.s32 $0x10, s25;
	(pc) =	sbr.rel @p2 .LBB2_13-.Ltmp5, $2  }
0xfe: {  	_ =	sdelay $0x2  }
0xff: {  	s26 =	sadd.s32 $0x88, s26;
	s28 =	sadd.s32 s28, s23  }
0x100: {  	[hbm4b:s28+s3] =	stream.linear.scatter [tilespmem:s24], [sflag:$0x4], $0x80, $0x38;
	[tilespmem:$0x19000] =	vst v63  }
0x101: {  	s23 =	sadd.s32 $0x10000, s22  }
0x102: {  	s23 =	sshrl.u32 s23, $0x3  }
0x103: {  	s24 =	simm.s32 $0x14C00;
	s23 =	sadd.s32 s2, s23  }
0x104: {  	s25 =	simm.s32 $0x10;
	s26 =	simm.s32 $0x14C88;
	s28 =	sadd.s32 $0x0, s23  }
.LBB2_15:
0x105: {  	[hbm4b:s28+s3] =	stream.linear.scatter [tilespmem:s24], [sflag:$0x4], $0x80, $0x38;
	[tilespmem:$0x19000] =	vst v63  }
0x106: {  	s28 =	smov.u32 s25;
	s24 =	smov.u32 s26;
	p2 =	sne.s32 s25, $0x3F0  }
.Ltmp6:
0x107: {  	s25 =	sadd.s32 $0x10, s25;
	(pc) =	sbr.rel @p2 .LBB2_15-.Ltmp6, $2  }
0x108: {  	_ =	sdelay $0x2  }
0x109: {  	s26 =	sadd.s32 $0x88, s26;
	s28 =	sadd.s32 s28, s23  }
0x10a: {  	[hbm4b:s28+s3] =	stream.linear.scatter [tilespmem:s24], [sflag:$0x4], $0x80, $0x38;
	[tilespmem:$0x19000] =	vst v63  }
0x10b: {  	s22 =	sadd.s32 $0x18000, s22  }
0x10c: {  	s22 =	sshrl.u32 s22, $0x3  }
0x10d: {  	s23 =	simm.s32 $0x16E00;
	s22 =	sadd.s32 s2, s22  }
0x10e: {  	s24 =	simm.s32 $0x10;
	s25 =	simm.s32 $0x16E88;
	s26 =	sadd.s32 $0x0, s22  }
.LBB2_17:
0x10f: {  	[hbm4b:s26+s3] =	stream.linear.scatter [tilespmem:s23], [sflag:$0x4], $0x80, $0x38;
	[tilespmem:$0x19000] =	vst v63  }
0x110: {  	s26 =	smov.u32 s24;
	s23 =	smov.u32 s25;
	p2 =	sne.s32 s24, $0x3F0  }
.Ltmp7:
0x111: {  	s24 =	sadd.s32 $0x10, s24;
	(pc) =	sbr.rel @p2 .LBB2_17-.Ltmp7, $2  }
0x112: {  	_ =	sdelay $0x2  }
0x113: {  	s25 =	sadd.s32 $0x88, s25;
	s26 =	sadd.s32 s26, s22  }
0x114: {  	s21 =	sadd.s32 $0x1, s21  }
0x115: {  	p2 =	sne.s32 s21, $0x19  }
.Ltmp8:
0x116: {  	_ = 	snop;
	(pc) =	sbr.rel @p2 .LBB2_4-.Ltmp8, $3  }
0x117: {  	_ =	sdelay $0x1  }
0x118: {  	[hbm4b:s26+s3] =	stream.linear.scatter [tilespmem:s23], [sflag:$0x4], $0x80, $0x38;
	[tilespmem:$0x19000] =	vst v63  }
0x119: {  	p0 =	por !p0, !p0;
	p1 =	por !p1, !p1  }
0x11a: {  	_ =	swait.ge [sflag:s19], $0x2000  }
0x11b: {  	[sflag:s19] =	ssyncset.done $0x0  }
0x11c: {  	[sflag:s19] =	ssyncadd.s32 $0xFFFFE000  }
0x11d: {  	_ =	swait.ge [sflag:s19], $0x2000  }
0x11e: {  	[sflag:s19] =	ssyncset.done $0x0  }
0x11f: {  	s20 =	sadd.s32 $0x1, s20;
	[sflag:s19] =	ssyncadd.s32 $0xFFFFE000  }
0x120: {  	p0 =	sne.s32 s20, s13;
	_ =	swait.ge [sflag:s19], $0x2000  }
.Ltmp9:
0x121: {  	[sflag:s19] =	ssyncset.done $0x0;
	(pc) =	sbr.rel @p0 .LBB2_1-.Ltmp9, $4  }
0x122: {  	[sflag:s19] =	ssyncadd.s32 $0xFFFFE000  }
0x123: {  	_ =	swait.ge [sflag:s19], $0x2000  }
0x124: {  	[sflag:s19] =	ssyncset.done $0x0  }
0x125: {  	[sflag:s19] =	ssyncadd.s32 $0xFFFFE000  }
0x126: {  	_ =	sfence.sel $0x180000  }
0x127: {  	[bflag:$0x0] =	sbarrier.arrive $0xFFFF  }
0x128: {  	p0 =	sne.s32 s0, $0x0;
	_ =	strace $0x90000047  }
0x129: {  	s0 =	sadd.s32 @!p0 $0x100000, s1;
	[bflag:$0x2] =	sbarrier.arrive $0xFFFF  }
0x12a: {  	[sflag:s0] =	ssyncadd.tile.s32 @!p0 $0x1;
	_ =	shalt  }
.Lfunc_end2:
_tile_overlayer_lowered:
.L_overlay_start_2:
0x12b: {  	(tag) =	ssettag $0x2  }
0x12c: {  	s0 =	rddreg [dreg:$0x0];
	s2 =	stileid.u32  }
0x12d: {  	s1 =	rddreg [dreg:$0x1];
	p0 =	sne.s32 s2, $0x0  }
0x12e: {  	s3 =	rddreg [dreg:$0x2];
	[bflag:$0x3] =	sbarrier.arrive $0xFFFF;
	s2 =	simm.s32 @!p0 $0x1C05  }
0x12f: {  	[timem:s3], [sflag:s2] =	dma.local @!p0 [hbm:s0], s1  }
0x130: {  	s0 =	simm.s32 @!p0 $0x5  }
0x131: {  	_ =	swait.ge @!p0 [sflag:s0], s1  }
0x132: {  	s1 =	ssub.s32 @!p0 $0x0, s1;
	[sflag:s0] =	ssyncset.done @!p0 $0x0  }
0x133: {  	[sflag:s0] =	ssyncadd.s32 @!p0 s1  }
0x134: {  	[bflag:$0x3] =	sbarrier.arrive $0xFFFF  }
0x135: {  	_ =	shalt  }

</sc_bundles>
